<compile_context>
chip_gen: v7x
topology: tpu7x:2x2x1
jax: 0.10.2.dev20260603
libtpu: 0.0.44.dev20260713+nightly
codegen_flags: <defaults>
</compile_context>

<pallas_src>
import functools

import jax
import jax.numpy as jnp
from jax import lax
from jax.experimental import pallas as pl
from jax.experimental.pallas import tpu as pltpu
from jax.experimental.pallas import tpu_sc as plsc

N = 10000
NPAD = 10112
E = 320000
D_IN = 128
D_HID = 128
D_OUT = 16
NC, NS = 2, 16
NW = NC * NS
CH = 128
EPT = E // NW
NCH = 80
EPT_PAD = NCH * CH
RPT = NPAD // NS
R_TC = 2528

_mesh = plsc.VectorSubcoreMesh(
    core_axis_name="c", subcore_axis_name="s", num_cores=NC, num_subcores=NS)



@functools.partial(
    pl.kernel,
    out_type=jax.ShapeDtypeStruct((NC, 2, NPAD, 8), jnp.float32),
    mesh=_mesh,
    compiler_params=pltpu.CompilerParams(use_tc_tiling_on_sc=False),
    scratch_types=[
        pltpu.VMEM((NCH, CH), jnp.int32),
        pltpu.VMEM((NCH, CH), jnp.int32),
        pltpu.VMEM((CH, 8), jnp.float32),
        pltpu.VMEM_SHARED((NPAD, 8), jnp.float32),
        pltpu.VMEM_SHARED((NPAD, 8), jnp.float32),
    ],
)
def _degrees(src_hbm, dst_hbm, ones_hbm, zeros_hbm, out_hbm,
             src_v, dst_v, ones_v, acc_s, acc_d):
    cid = lax.axis_index("c")
    sid = lax.axis_index("s")
    wid = cid * NS + sid
    pltpu.sync_copy(zeros_hbm, acc_s.at[pl.ds(sid * RPT, RPT)])
    pltpu.sync_copy(zeros_hbm, acc_d.at[pl.ds(sid * RPT, RPT)])
    pltpu.sync_copy(ones_hbm, ones_v)
    pltpu.sync_copy(src_hbm.at[wid], src_v)
    pltpu.sync_copy(dst_hbm.at[wid], dst_v)
    plsc.subcore_barrier()

    def body(j, carry):
        pltpu.sync_copy(ones_v, acc_s.at[src_v.at[j]], add=True)
        pltpu.sync_copy(ones_v, acc_d.at[dst_v.at[j]], add=True)
        return carry

    lax.fori_loop(0, NCH, body, 0)
    plsc.subcore_barrier()
    rows = pl.ds(sid * RPT, RPT)
    pltpu.sync_copy(acc_s.at[rows], out_hbm.at[cid, 0, rows])
    pltpu.sync_copy(acc_d.at[rows], out_hbm.at[cid, 1, rows])


def _make_segsum(D, ch, qi, pipelined):
    nch = EPT_PAD // ch
    nq = nch // qi

    @functools.partial(
        pl.kernel,
        out_type=jax.ShapeDtypeStruct((NC, NPAD, D), jnp.float32),
        mesh=_mesh,
        compiler_params=pltpu.CompilerParams(use_tc_tiling_on_sc=(D == 128)),
        scratch_types=(
            [pltpu.VMEM((nq, ch), jnp.int32),
             pltpu.VMEM((nq, ch), jnp.int32)]
            + [pltpu.VMEM((ch, D), jnp.float32)] * (2 if pipelined else 1)
            + [pltpu.VMEM_SHARED((NPAD, D), jnp.float32)]
            + [pltpu.SemaphoreType.DMA] * (2 if pipelined else 1)
        ),
    )
    def segsum(table_hbm, src_hbm, dst_hbm, zeros_hbm, out_hbm,
               src_v, dst_v, *rest):
        if pipelined:
            rows0, rows1, acc, sem0, sem1 = rest
        else:
            rows0, acc, sem0 = rest
        cid = lax.axis_index("c")
        sid = lax.axis_index("s")
        wid = cid * NS + sid
        pltpu.sync_copy(zeros_hbm, acc.at[pl.ds(sid * RPT, RPT)])
        plsc.subcore_barrier()

        for q in range(qi):
            pltpu.sync_copy(src_hbm.at[wid, pl.ds(q * nq, nq)], src_v)
            pltpu.sync_copy(dst_hbm.at[wid, pl.ds(q * nq, nq)], dst_v)
            if pipelined:
                pltpu.async_copy(table_hbm.at[src_v.at[0]], rows0, sem0)
                pltpu.async_copy(table_hbm.at[src_v.at[1]], rows1, sem1)

                @pl.loop(0, nq - 2, step=2)
                def _(j):
                    pltpu.make_async_copy(table_hbm.at[src_v.at[j]], rows0, sem0).wait()
                    pltpu.sync_copy(rows0, acc.at[dst_v.at[j]], add=True)
                    pltpu.async_copy(table_hbm.at[src_v.at[j + 2]], rows0, sem0)
                    pltpu.make_async_copy(table_hbm.at[src_v.at[j + 1]], rows1, sem1).wait()
                    pltpu.sync_copy(rows1, acc.at[dst_v.at[j + 1]], add=True)
                    pltpu.async_copy(table_hbm.at[src_v.at[j + 3]], rows1, sem1)

                pltpu.make_async_copy(table_hbm.at[src_v.at[nq - 2]], rows0, sem0).wait()
                pltpu.sync_copy(rows0, acc.at[dst_v.at[nq - 2]], add=True)
                pltpu.make_async_copy(table_hbm.at[src_v.at[nq - 1]], rows1, sem1).wait()
                pltpu.sync_copy(rows1, acc.at[dst_v.at[nq - 1]], add=True)
            else:
                def body(j, carry):
                    pltpu.async_copy(table_hbm.at[src_v.at[j]], rows0, sem0).wait()
                    pltpu.sync_copy(rows0, acc.at[dst_v.at[j]], add=True)
                    return carry

                lax.fori_loop(0, nq, body, 0)
        plsc.subcore_barrier()
        rows = pl.ds(sid * RPT, RPT)
        pltpu.sync_copy(acc.at[rows], out_hbm.at[cid, rows])

    return segsum


CH128 = 128
_segsum128 = _make_segsum(D_HID, CH128, 1, pipelined=False)
_segsum16 = _make_segsum(D_OUT, CH, 1, pipelined=True)



def _norm_from(deg_ref, which):
    deg = deg_ref[0, which][:, :1] + deg_ref[1, which][:, :1]
    return lax.rsqrt(jnp.maximum(deg, 1.0))


def _mm1_body(x_ref, w_ref, deg_ref, o_ref):
    norm_out = _norm_from(deg_ref, 0)
    o_ref[...] = jnp.dot(x_ref[...], w_ref[...],
                         preferred_element_type=jnp.float32) * norm_out


def _mm2_body(agg_ref, deg_ref, b1_ref, w2_ref, o_ref):
    agg = agg_ref[0] + agg_ref[1]
    norm_in = _norm_from(deg_ref, 1)
    norm_out = _norm_from(deg_ref, 0)
    h = jnp.maximum(agg * norm_in + b1_ref[...], 0.0)
    h2 = jnp.dot(h, w2_ref[...], preferred_element_type=jnp.float32) * norm_out
    rows = lax.broadcasted_iota(jnp.int32, (R_TC, 1), 0) + pl.program_id(0) * R_TC
    o_ref[...] = jnp.where(rows < N, h2, 0.0)


def _final_body(agg_ref, deg_ref, b2_ref, o_ref):
    agg = agg_ref[0] + agg_ref[1]
    norm_in = _norm_from(deg_ref, 1)
    o_ref[...] = agg * norm_in + b2_ref[...]


_DEG_SPEC = pl.BlockSpec((NC, 2, R_TC, 8), lambda i: (0, 0, i, 0))


def _mm1(x, w1, degs):
    return pl.pallas_call(
        _mm1_body,
        grid=(NPAD // R_TC,),
        in_specs=[
            pl.BlockSpec((R_TC, D_IN), lambda i: (i, 0)),
            pl.BlockSpec((D_IN, D_HID), lambda i: (0, 0)),
            _DEG_SPEC,
        ],
        out_specs=pl.BlockSpec((R_TC, D_HID), lambda i: (i, 0)),
        out_shape=jax.ShapeDtypeStruct((NPAD, D_HID), jnp.float32),
    )(x, w1, degs)


def _mm2(agg, degs, b1, w2):
    return pl.pallas_call(
        _mm2_body,
        grid=(NPAD // R_TC,),
        in_specs=[
            pl.BlockSpec((NC, R_TC, D_HID), lambda i: (0, i, 0)),
            _DEG_SPEC,
            pl.BlockSpec((1, D_HID), lambda i: (0, 0)),
            pl.BlockSpec((D_HID, D_OUT), lambda i: (0, 0)),
        ],
        out_specs=pl.BlockSpec((R_TC, D_OUT), lambda i: (i, 0)),
        out_shape=jax.ShapeDtypeStruct((NPAD, D_OUT), jnp.float32),
    )(agg, degs, b1, w2)


def _final(agg2, degs, b2):
    return pl.pallas_call(
        _final_body,
        grid=(NPAD // R_TC,),
        in_specs=[
            pl.BlockSpec((NC, R_TC, D_OUT), lambda i: (0, i, 0)),
            _DEG_SPEC,
            pl.BlockSpec((1, D_OUT), lambda i: (0, 0)),
        ],
        out_specs=pl.BlockSpec((R_TC, D_OUT), lambda i: (i, 0)),
        out_shape=jax.ShapeDtypeStruct((NPAD, D_OUT), jnp.float32),
    )(agg2, degs, b2)



def kernel(features, edge_index, W1, b1, W2, b2):
    src = edge_index[0].astype(jnp.int32)
    dst = edge_index[1].astype(jnp.int32)
    pad = ((0, 0), (0, EPT_PAD - EPT))
    src_p = jnp.pad(src.reshape(NW, EPT), pad, constant_values=N)
    dst_p = jnp.pad(dst.reshape(NW, EPT), pad, constant_values=N)
    src_p = src_p.reshape(NW, NCH, CH)
    dst_p = dst_p.reshape(NW, NCH, CH)

    x_pad = jnp.pad(features, ((0, NPAD - N), (0, 0)))
    ones8 = jnp.ones((CH, 8), jnp.float32)
    z8 = jnp.zeros((RPT, 8), jnp.float32)
    z128 = jnp.zeros((RPT, D_HID), jnp.float32)
    z16 = jnp.zeros((RPT, D_OUT), jnp.float32)

    src_p64 = src_p.reshape(NW, EPT_PAD // CH128, CH128)
    dst_p64 = dst_p.reshape(NW, EPT_PAD // CH128, CH128)

    degs = _degrees(src_p, dst_p, ones8, z8)
    h1 = _mm1(x_pad, W1, degs)
    agg1 = _segsum128(h1, src_p64, dst_p64, z128)
    h2 = _mm2(agg1, degs, b1.reshape(1, D_HID), W2)
    agg2 = _segsum16(h2, src_p, dst_p, z16)
    out = _final(agg2, degs, b2.reshape(1, D_OUT))
    return out[:N]

# --- scband reference (transcript-rebuilt; emitter-appended) ---
"""Pipeline reference for scband-simple-gcn-31576599560550 (READ-ONLY COPY).

The authoritative reference and input builder live on the scoring server;
editing this copy changes nothing except your own understanding.
"""

import jax, jax.numpy as jnp
import numpy as np

N_NODES = 10000
N_EDGES = 320000
D_IN = 128
D_HID = 128
D_OUT = 16

def setup_inputs(seed: int = 0) -> dict:
    key = jax.random.key(seed)
    k1, k2, k3, k4, k5, k6 = jax.random.split(key, 6)
    features = jax.random.normal(k1, (N_NODES, D_IN), dtype=jnp.float32)
    edge_index = jax.random.randint(k2, (2, N_EDGES), 0, N_NODES, dtype=jnp.int64)
    # Glorot-style init for GraphConv weights, zeros for bias (DGL defaults)
    W1 = jax.random.normal(k3, (D_IN, D_HID), dtype=jnp.float32) * (1.0 / np.sqrt(D_IN))
    b1 = jnp.zeros((D_HID,), dtype=jnp.float32)
    W2 = jax.random.normal(k4, (D_HID, D_OUT), dtype=jnp.float32) * (1.0 / np.sqrt(D_HID))
    b2 = jnp.zeros((D_OUT,), dtype=jnp.float32)
    return {"features": features, "edge_index": edge_index, "W1": W1, "b1": b1, "W2": W2, "b2": b2}

def reference(features, edge_index, W1, b1, W2, b2):
    # SimpleGCN with 2 dgl.nn.GraphConv layers (norm='both', bias=True,
    # allow_zero_in_degree=True). Dropout is identity in eval mode.
    N = features.shape[0]
    src = edge_index[0]
    dst = edge_index[1]
    deg_out = jnp.bincount(src, length=N)
    deg_in = jnpp_bincount = jnp.bincount(dst, length=N)
    norm_out = jax.lax.rsqrt(jnp.maximum(deg_out, 1).astype(features.dtype))
    norm_in = jax.lax.rsqrt(jnp.maximum(deg_in, 1).astype(features.dtype))

    def graph_conv(h, W, b):
        # weight-first (in_feats >= out_feats path); math is equivalent either way
        h = h @ W
        h = h * norm_out[:, None]
        msg = jnp.take(h, src, axis=0)
        agg = jax.ops.segment_sum(msg, dst, num_segments=N)
        agg = agg * norm_in[:, None]
        return agg + b

    h = jax.nn.relu(graph_conv(features, W1, b1))
    h = graph_conv(h, W2, b2)
    return h

if __name__ == "__main__":
    import jax
    _d = setup_inputs()
    print(jax.jit(kernel)(*tuple(_d.values())))

</pallas_src>

<mosaic_0001>
#map = affine_map<(d0, d1) -> (0, 0, 0)>
#map1 = affine_map<(d0, d1) -> (0, 0)>
#map2 = affine_map<(d0, d1) -> (0, 0, 0, 0)>
module attributes {stable_mosaic.version = 14 : i64} {
  func.func @_degrees(%arg0: i32, %arg1: i32, %arg2: memref<32x80x128xi32, #tpu.memory_space<hbm>>, %arg3: memref<32x80x128xi32, #tpu.memory_space<hbm>>, %arg4: memref<128x8xf32, #tpu.memory_space<hbm>>, %arg5: memref<632x8xf32, #tpu.memory_space<hbm>>, %arg6: memref<2x2x10112x8xf32, #tpu.memory_space<hbm>>, %arg7: memref<80x128xi32, #tpu.memory_space<vmem>>, %arg8: memref<80x128xi32, #tpu.memory_space<vmem>>, %arg9: memref<128x8xf32, #tpu.memory_space<vmem>>, %arg10: memref<10112x8xf32, #tpu.memory_space<vmem_shared>>, %arg11: memref<10112x8xf32, #tpu.memory_space<vmem_shared>>) attributes {dimension_semantics = [#tpu.dimension_semantics<core_parallel>, #tpu.dimension_semantics<subcore_parallel>], iteration_bounds = array<i64: 2, 16>, scalar_prefetch = 0 : i64, scratch_operands = 5 : i64, tpu.core_type = #tpu.core_type<sc_vector_subcore>, window_params = [{transform_indices = #map}, {transform_indices = #map}, {transform_indices = #map1}, {transform_indices = #map1}, {transform_indices = #map2}]} {
    %mul3A = arith.constant 16 : i32
    %mul3A_0 = arith.muli %arg0, %mul3A : i32
    %add3A = arith.addi %mul3A_0, %arg1 : i32
    %mul3A_1 = arith.constant 632 : i32
    %mul3A_2 = arith.muli %arg1, %mul3A_1 : i32
    "tpu.region"() ({
      %run_scoped3A_14 = tpu.sem_alloc : memref<!tpu.dma_semaphore, #tpu.memory_space<semaphore_mem>>
      %dma_start3A = arith.constant 0 : i32
      %dma_start3A_15 = tpu.memref_slice %arg10[%mul3A_2, %dma_start3A] : memref<10112x8xf32, #tpu.memory_space<vmem_shared>> -> memref<632x8xf32, #tpu.memory_space<vmem_shared>>
      tpu.enqueue_dma source(%arg5 : memref<632x8xf32, #tpu.memory_space<hbm>>) target(%dma_start3A_15 : memref<632x8xf32, #tpu.memory_space<vmem_shared>>) target_semaphore(%run_scoped3A_14 : memref<!tpu.dma_semaphore, #tpu.memory_space<semaphore_mem>>)
      %dma_wait3A = arith.constant 0 : i32
      %dma_wait3A_16 = tpu.memref_slice %arg10[%mul3A_2, %dma_wait3A] : memref<10112x8xf32, #tpu.memory_space<vmem_shared>> -> memref<632x8xf32, #tpu.memory_space<vmem_shared>>
      tpu.wait_dma2 semaphore(%run_scoped3A_14 : memref<!tpu.dma_semaphore, #tpu.memory_space<semaphore_mem>>) src(%arg5 : memref<632x8xf32, #tpu.memory_space<hbm>>) dst(%dma_wait3A_16 : memref<632x8xf32, #tpu.memory_space<vmem_shared>>)
      tpu.yield
    }) : () -> ()
    %mul3A_3 = arith.constant 632 : i32
    %mul3A_4 = arith.muli %arg1, %mul3A_3 : i32
    "tpu.region"() ({
      %run_scoped3A_14 = tpu.sem_alloc : memref<!tpu.dma_semaphore, #tpu.memory_space<semaphore_mem>>
      %dma_start3A = arith.constant 0 : i32
      %dma_start3A_15 = tpu.memref_slice %arg11[%mul3A_4, %dma_start3A] : memref<10112x8xf32, #tpu.memory_space<vmem_shared>> -> memref<632x8xf32, #tpu.memory_space<vmem_shared>>
      tpu.enqueue_dma source(%arg5 : memref<632x8xf32, #tpu.memory_space<hbm>>) target(%dma_start3A_15 : memref<632x8xf32, #tpu.memory_space<vmem_shared>>) target_semaphore(%run_scoped3A_14 : memref<!tpu.dma_semaphore, #tpu.memory_space<semaphore_mem>>)
      %dma_wait3A = arith.constant 0 : i32
      %dma_wait3A_16 = tpu.memref_slice %arg11[%mul3A_4, %dma_wait3A] : memref<10112x8xf32, #tpu.memory_space<vmem_shared>> -> memref<632x8xf32, #tpu.memory_space<vmem_shared>>
      tpu.wait_dma2 semaphore(%run_scoped3A_14 : memref<!tpu.dma_semaphore, #tpu.memory_space<semaphore_mem>>) src(%arg5 : memref<632x8xf32, #tpu.memory_space<hbm>>) dst(%dma_wait3A_16 : memref<632x8xf32, #tpu.memory_space<vmem_shared>>)
      tpu.yield
    }) : () -> ()
    "tpu.region"() ({
      %run_scoped3A_14 = tpu.sem_alloc : memref<!tpu.dma_semaphore, #tpu.memory_space<semaphore_mem>>
      tpu.enqueue_dma source(%arg4 : memref<128x8xf32, #tpu.memory_space<hbm>>) target(%arg9 : memref<128x8xf32, #tpu.memory_space<vmem>>) target_semaphore(%run_scoped3A_14 : memref<!tpu.dma_semaphore, #tpu.memory_space<semaphore_mem>>)
      tpu.wait_dma2 semaphore(%run_scoped3A_14 : memref<!tpu.dma_semaphore, #tpu.memory_space<semaphore_mem>>) src(%arg4 : memref<128x8xf32, #tpu.memory_space<hbm>>) dst(%arg9 : memref<128x8xf32, #tpu.memory_space<vmem>>)
      tpu.yield
    }) : () -> ()
    "tpu.region"() ({
      %run_scoped3A_14 = tpu.sem_alloc : memref<!tpu.dma_semaphore, #tpu.memory_space<semaphore_mem>>
      %dma_start3A = arith.constant 0 : i32
      %dma_start3A_15 = arith.constant 0 : i32
      %dma_start3A_16 = tpu.memref_slice %arg2[%add3A, %dma_start3A, %dma_start3A_15] : memref<32x80x128xi32, #tpu.memory_space<hbm>> -> memref<1x80x128xi32, #tpu.memory_space<hbm>>
      %dma_start3A_17 = tpu.memref_squeeze %dma_start3A_16 : memref<1x80x128xi32, #tpu.memory_space<hbm>> -> memref<80x128xi32, #tpu.memory_space<hbm>>
      %dma_start3A_18 = arith.constant 0 : i32
      %dma_start3A_19 = arith.constant 0 : i32
      %dma_start3A_20 = tpu.memref_slice %arg2[%add3A, %dma_start3A_18, %dma_start3A_19] : memref<32x80x128xi32, #tpu.memory_space<hbm>> -> memref<1x80x128xi32, #tpu.memory_space<hbm>>
      %dma_start3A_21 = tpu.memref_squeeze %dma_start3A_20 : memref<1x80x128xi32, #tpu.memory_space<hbm>> -> memref<80x128xi32, #tpu.memory_space<hbm>>
      tpu.enqueue_dma source(%dma_start3A_21 : memref<80x128xi32, #tpu.memory_space<hbm>>) target(%arg7 : memref<80x128xi32, #tpu.memory_space<vmem>>) target_semaphore(%run_scoped3A_14 : memref<!tpu.dma_semaphore, #tpu.memory_space<semaphore_mem>>)
      %dma_wait3A = arith.constant 0 : i32
      %dma_wait3A_22 = arith.constant 0 : i32
      %dma_wait3A_23 = tpu.memref_slice %arg2[%add3A, %dma_wait3A, %dma_wait3A_22] : memref<32x80x128xi32, #tpu.memory_space<hbm>> -> memref<1x80x128xi32, #tpu.memory_space<hbm>>
      %dma_wait3A_24 = tpu.memref_squeeze %dma_wait3A_23 : memref<1x80x128xi32, #tpu.memory_space<hbm>> -> memref<80x128xi32, #tpu.memory_space<hbm>>
      %dma_wait3A_25 = arith.constant 0 : i32
      %dma_wait3A_26 = arith.constant 0 : i32
      %dma_wait3A_27 = tpu.memref_slice %arg2[%add3A, %dma_wait3A_25, %dma_wait3A_26] : memref<32x80x128xi32, #tpu.memory_space<hbm>> -> memref<1x80x128xi32, #tpu.memory_space<hbm>>
      %dma_wait3A_28 = tpu.memref_squeeze %dma_wait3A_27 : memref<1x80x128xi32, #tpu.memory_space<hbm>> -> memref<80x128xi32, #tpu.memory_space<hbm>>
      tpu.wait_dma2 semaphore(%run_scoped3A_14 : memref<!tpu.dma_semaphore, #tpu.memory_space<semaphore_mem>>) src(%dma_wait3A_28 : memref<80x128xi32, #tpu.memory_space<hbm>>) dst(%arg7 : memref<80x128xi32, #tpu.memory_space<vmem>>)
      tpu.yield
    }) : () -> ()
    "tpu.region"() ({
      %run_scoped3A_14 = tpu.sem_alloc : memref<!tpu.dma_semaphore, #tpu.memory_space<semaphore_mem>>
      %dma_start3A = arith.constant 0 : i32
      %dma_start3A_15 = arith.constant 0 : i32
      %dma_start3A_16 = tpu.memref_slice %arg3[%add3A, %dma_start3A, %dma_start3A_15] : memref<32x80x128xi32, #tpu.memory_space<hbm>> -> memref<1x80x128xi32, #tpu.memory_space<hbm>>
      %dma_start3A_17 = tpu.memref_squeeze %dma_start3A_16 : memref<1x80x128xi32, #tpu.memory_space<hbm>> -> memref<80x128xi32, #tpu.memory_space<hbm>>
      %dma_start3A_18 = arith.constant 0 : i32
      %dma_start3A_19 = arith.constant 0 : i32
      %dma_start3A_20 = tpu.memref_slice %arg3[%add3A, %dma_start3A_18, %dma_start3A_19] : memref<32x80x128xi32, #tpu.memory_space<hbm>> -> memref<1x80x128xi32, #tpu.memory_space<hbm>>
      %dma_start3A_21 = tpu.memref_squeeze %dma_start3A_20 : memref<1x80x128xi32, #tpu.memory_space<hbm>> -> memref<80x128xi32, #tpu.memory_space<hbm>>
      tpu.enqueue_dma source(%dma_start3A_21 : memref<80x128xi32, #tpu.memory_space<hbm>>) target(%arg8 : memref<80x128xi32, #tpu.memory_space<vmem>>) target_semaphore(%run_scoped3A_14 : memref<!tpu.dma_semaphore, #tpu.memory_space<semaphore_mem>>)
      %dma_wait3A = arith.constant 0 : i32
      %dma_wait3A_22 = arith.constant 0 : i32
      %dma_wait3A_23 = tpu.memref_slice %arg3[%add3A, %dma_wait3A, %dma_wait3A_22] : memref<32x80x128xi32, #tpu.memory_space<hbm>> -> memref<1x80x128xi32, #tpu.memory_space<hbm>>
      %dma_wait3A_24 = tpu.memref_squeeze %dma_wait3A_23 : memref<1x80x128xi32, #tpu.memory_space<hbm>> -> memref<80x128xi32, #tpu.memory_space<hbm>>
      %dma_wait3A_25 = arith.constant 0 : i32
      %dma_wait3A_26 = arith.constant 0 : i32
      %dma_wait3A_27 = tpu.memref_slice %arg3[%add3A, %dma_wait3A_25, %dma_wait3A_26] : memref<32x80x128xi32, #tpu.memory_space<hbm>> -> memref<1x80x128xi32, #tpu.memory_space<hbm>>
      %dma_wait3A_28 = tpu.memref_squeeze %dma_wait3A_27 : memref<1x80x128xi32, #tpu.memory_space<hbm>> -> memref<80x128xi32, #tpu.memory_space<hbm>>
      tpu.wait_dma2 semaphore(%run_scoped3A_14 : memref<!tpu.dma_semaphore, #tpu.memory_space<semaphore_mem>>) src(%dma_wait3A_28 : memref<80x128xi32, #tpu.memory_space<hbm>>) dst(%arg8 : memref<80x128xi32, #tpu.memory_space<vmem>>)
      tpu.yield
    }) : () -> ()
    %barrier3A = arith.constant 0 : index
    tpu.barrier barrier_id(%barrier3A)
    %scan3A = arith.constant 0 : i32
    %scan3A_5 = arith.constant 0 : i32
    %scan3A_6 = arith.constant 80 : i32
    %scan3A_7 = arith.addi %scan3A_5, %scan3A_6 : i32
    %scan3A_8 = arith.constant 1 : i32
    scf.for %scan3A_14 = %scan3A_5 to %scan3A_7 step %scan3A_8  : i32 {
      "tpu.region"() ({
        %run_scoped3A_15 = tpu.sem_alloc : memref<!tpu.dma_semaphore, #tpu.memory_space<semaphore_mem>>
        %dma_start3A = arith.constant 0 : i32
        %dma_start3A_16 = tpu.memref_slice %arg7[%scan3A_14, %dma_start3A] : memref<80x128xi32, #tpu.memory_space<vmem>> -> memref<1x128xi32, #tpu.memory_space<vmem>>
        %dma_start3A_17 = tpu.memref_squeeze %dma_start3A_16 : memref<1x128xi32, #tpu.memory_space<vmem>> -> memref<128xi32, #tpu.memory_space<vmem>>
        %dma_start3A_18 = arith.constant 0 : i32
        %dma_start3A_19 = arith.constant 0 : i32
        %dma_start3A_20 = tpu.memref_slice %arg10[%dma_start3A_18, %dma_start3A_19] : memref<10112x8xf32, #tpu.memory_space<vmem_shared>> -> memref<10112x8xf32, #tpu.memory_space<vmem_shared>>
        tpu.enqueue_indirect_dma source(%arg9 : memref<128x8xf32, #tpu.memory_space<vmem>>) target(%dma_start3A_20 : memref<10112x8xf32, #tpu.memory_space<vmem_shared>>) offsets(%dma_start3A_17 : memref<128xi32, #tpu.memory_space<vmem>>) semaphore(%run_scoped3A_15 : memref<!tpu.dma_semaphore, #tpu.memory_space<semaphore_mem>>) {add = true}
        %dma_wait3A = arith.constant 0 : i32
        %dma_wait3A_21 = tpu.memref_slice %arg7[%scan3A_14, %dma_wait3A] : memref<80x128xi32, #tpu.memory_space<vmem>> -> memref<1x128xi32, #tpu.memory_space<vmem>>
        %dma_wait3A_22 = tpu.memref_squeeze %dma_wait3A_21 : memref<1x128xi32, #tpu.memory_space<vmem>> -> memref<128xi32, #tpu.memory_space<vmem>>
        %dma_wait3A_23 = arith.constant 0 : i32
        %dma_wait3A_24 = arith.constant 0 : i32
        %dma_wait3A_25 = tpu.memref_slice %arg10[%dma_wait3A_23, %dma_wait3A_24] : memref<10112x8xf32, #tpu.memory_space<vmem_shared>> -> memref<10112x8xf32, #tpu.memory_space<vmem_shared>>
        tpu.wait_indirect_dma semaphore(%run_scoped3A_15 : memref<!tpu.dma_semaphore, #tpu.memory_space<semaphore_mem>>) src(%arg9 : memref<128x8xf32, #tpu.memory_space<vmem>>) dst(%dma_wait3A_25 : memref<10112x8xf32, #tpu.memory_space<vmem_shared>>)
        tpu.yield
      }) : () -> ()
      "tpu.region"() ({
        %run_scoped3A_15 = tpu.sem_alloc : memref<!tpu.dma_semaphore, #tpu.memory_space<semaphore_mem>>
        %dma_start3A = arith.constant 0 : i32
        %dma_start3A_16 = tpu.memref_slice %arg8[%scan3A_14, %dma_start3A] : memref<80x128xi32, #tpu.memory_space<vmem>> -> memref<1x128xi32, #tpu.memory_space<vmem>>
        %dma_start3A_17 = tpu.memref_squeeze %dma_start3A_16 : memref<1x128xi32, #tpu.memory_space<vmem>> -> memref<128xi32, #tpu.memory_space<vmem>>
        %dma_start3A_18 = arith.constant 0 : i32
        %dma_start3A_19 = arith.constant 0 : i32
        %dma_start3A_20 = tpu.memref_slice %arg11[%dma_start3A_18, %dma_start3A_19] : memref<10112x8xf32, #tpu.memory_space<vmem_shared>> -> memref<10112x8xf32, #tpu.memory_space<vmem_shared>>
        tpu.enqueue_indirect_dma source(%arg9 : memref<128x8xf32, #tpu.memory_space<vmem>>) target(%dma_start3A_20 : memref<10112x8xf32, #tpu.memory_space<vmem_shared>>) offsets(%dma_start3A_17 : memref<128xi32, #tpu.memory_space<vmem>>) semaphore(%run_scoped3A_15 : memref<!tpu.dma_semaphore, #tpu.memory_space<semaphore_mem>>) {add = true}
        %dma_wait3A = arith.constant 0 : i32
        %dma_wait3A_21 = tpu.memref_slice %arg8[%scan3A_14, %dma_wait3A] : memref<80x128xi32, #tpu.memory_space<vmem>> -> memref<1x128xi32, #tpu.memory_space<vmem>>
        %dma_wait3A_22 = tpu.memref_squeeze %dma_wait3A_21 : memref<1x128xi32, #tpu.memory_space<vmem>> -> memref<128xi32, #tpu.memory_space<vmem>>
        %dma_wait3A_23 = arith.constant 0 : i32
        %dma_wait3A_24 = arith.constant 0 : i32
        %dma_wait3A_25 = tpu.memref_slice %arg11[%dma_wait3A_23, %dma_wait3A_24] : memref<10112x8xf32, #tpu.memory_space<vmem_shared>> -> memref<10112x8xf32, #tpu.memory_space<vmem_shared>>
        tpu.wait_indirect_dma semaphore(%run_scoped3A_15 : memref<!tpu.dma_semaphore, #tpu.memory_space<semaphore_mem>>) src(%arg9 : memref<128x8xf32, #tpu.memory_space<vmem>>) dst(%dma_wait3A_25 : memref<10112x8xf32, #tpu.memory_space<vmem_shared>>)
        tpu.yield
      }) : () -> ()
    }
    %scan3A_9 = arith.constant 80 : i32
    %barrier3A_10 = arith.constant 0 : index
    tpu.barrier barrier_id(%barrier3A_10)
    %mul3A_11 = arith.constant 632 : i32
    %mul3A_12 = arith.muli %arg1, %mul3A_11 : i32
    %run_scoped3A = arith.constant 0 : i32
    "tpu.region"() ({
      %run_scoped3A_14 = tpu.sem_alloc : memref<!tpu.dma_semaphore, #tpu.memory_space<semaphore_mem>>
      %dma_start3A = arith.constant 0 : i32
      %dma_start3A_15 = tpu.memref_slice %arg6[%arg0, %run_scoped3A, %mul3A_12, %dma_start3A] : memref<2x2x10112x8xf32, #tpu.memory_space<hbm>> -> memref<1x1x632x8xf32, #tpu.memory_space<hbm>>
      %dma_start3A_16 = tpu.memref_squeeze %dma_start3A_15 : memref<1x1x632x8xf32, #tpu.memory_space<hbm>> -> memref<632x8xf32, #tpu.memory_space<hbm>>
      %dma_start3A_17 = arith.constant 0 : i32
      %dma_start3A_18 = tpu.memref_slice %arg10[%mul3A_12, %dma_start3A_17] : memref<10112x8xf32, #tpu.memory_space<vmem_shared>> -> memref<632x8xf32, #tpu.memory_space<vmem_shared>>
      tpu.enqueue_dma source(%dma_start3A_18 : memref<632x8xf32, #tpu.memory_space<vmem_shared>>) target(%dma_start3A_16 : memref<632x8xf32, #tpu.memory_space<hbm>>) target_semaphore(%run_scoped3A_14 : memref<!tpu.dma_semaphore, #tpu.memory_space<semaphore_mem>>)
      %dma_wait3A = arith.constant 0 : i32
      %dma_wait3A_19 = tpu.memref_slice %arg6[%arg0, %run_scoped3A, %mul3A_12, %dma_wait3A] : memref<2x2x10112x8xf32, #tpu.memory_space<hbm>> -> memref<1x1x632x8xf32, #tpu.memory_space<hbm>>
      %dma_wait3A_20 = tpu.memref_squeeze %dma_wait3A_19 : memref<1x1x632x8xf32, #tpu.memory_space<hbm>> -> memref<632x8xf32, #tpu.memory_space<hbm>>
      %dma_wait3A_21 = arith.constant 0 : i32
      %dma_wait3A_22 = tpu.memref_slice %arg10[%mul3A_12, %dma_wait3A_21] : memref<10112x8xf32, #tpu.memory_space<vmem_shared>> -> memref<632x8xf32, #tpu.memory_space<vmem_shared>>
      tpu.wait_dma2 semaphore(%run_scoped3A_14 : memref<!tpu.dma_semaphore, #tpu.memory_space<semaphore_mem>>) src(%dma_wait3A_22 : memref<632x8xf32, #tpu.memory_space<vmem_shared>>) dst(%dma_wait3A_20 : memref<632x8xf32, #tpu.memory_space<hbm>>)
      tpu.yield
    }) : () -> ()
    %run_scoped3A_13 = arith.constant 1 : i32
    "tpu.region"() ({
      %run_scoped3A_14 = tpu.sem_alloc : memref<!tpu.dma_semaphore, #tpu.memory_space<semaphore_mem>>
      %dma_start3A = arith.constant 0 : i32
      %dma_start3A_15 = tpu.memref_slice %arg6[%arg0, %run_scoped3A_13, %mul3A_12, %dma_start3A] : memref<2x2x10112x8xf32, #tpu.memory_space<hbm>> -> memref<1x1x632x8xf32, #tpu.memory_space<hbm>>
      %dma_start3A_16 = tpu.memref_squeeze %dma_start3A_15 : memref<1x1x632x8xf32, #tpu.memory_space<hbm>> -> memref<632x8xf32, #tpu.memory_space<hbm>>
      %dma_start3A_17 = arith.constant 0 : i32
      %dma_start3A_18 = tpu.memref_slice %arg11[%mul3A_12, %dma_start3A_17] : memref<10112x8xf32, #tpu.memory_space<vmem_shared>> -> memref<632x8xf32, #tpu.memory_space<vmem_shared>>
      tpu.enqueue_dma source(%dma_start3A_18 : memref<632x8xf32, #tpu.memory_space<vmem_shared>>) target(%dma_start3A_16 : memref<632x8xf32, #tpu.memory_space<hbm>>) target_semaphore(%run_scoped3A_14 : memref<!tpu.dma_semaphore, #tpu.memory_space<semaphore_mem>>)
      %dma_wait3A = arith.constant 0 : i32
      %dma_wait3A_19 = tpu.memref_slice %arg6[%arg0, %run_scoped3A_13, %mul3A_12, %dma_wait3A] : memref<2x2x10112x8xf32, #tpu.memory_space<hbm>> -> memref<1x1x632x8xf32, #tpu.memory_space<hbm>>
      %dma_wait3A_20 = tpu.memref_squeeze %dma_wait3A_19 : memref<1x1x632x8xf32, #tpu.memory_space<hbm>> -> memref<632x8xf32, #tpu.memory_space<hbm>>
      %dma_wait3A_21 = arith.constant 0 : i32
      %dma_wait3A_22 = tpu.memref_slice %arg11[%mul3A_12, %dma_wait3A_21] : memref<10112x8xf32, #tpu.memory_space<vmem_shared>> -> memref<632x8xf32, #tpu.memory_space<vmem_shared>>
      tpu.wait_dma2 semaphore(%run_scoped3A_14 : memref<!tpu.dma_semaphore, #tpu.memory_space<semaphore_mem>>) src(%dma_wait3A_22 : memref<632x8xf32, #tpu.memory_space<vmem_shared>>) dst(%dma_wait3A_20 : memref<632x8xf32, #tpu.memory_space<hbm>>)
      tpu.yield
    }) : () -> ()
    return
  }
}

#map = affine_map<(d0, d1) -> (0, 0)>
#map1 = affine_map<(d0, d1) -> (0, 0, 0)>
module attributes {stable_mosaic.version = 14 : i64} {
  func.func @segsum(%arg0: i32, %arg1: i32, %arg2: memref<10112x16xf32, #tpu.memory_space<hbm>>, %arg3: memref<32x80x128xi32, #tpu.memory_space<hbm>>, %arg4: memref<32x80x128xi32, #tpu.memory_space<hbm>>, %arg5: memref<632x16xf32, #tpu.memory_space<hbm>>, %arg6: memref<2x10112x16xf32, #tpu.memory_space<hbm>>, %arg7: memref<80x128xi32, #tpu.memory_space<vmem>>, %arg8: memref<80x128xi32, #tpu.memory_space<vmem>>, %arg9: memref<128x16xf32, #tpu.memory_space<vmem>>, %arg10: memref<128x16xf32, #tpu.memory_space<vmem>>, %arg11: memref<10112x16xf32, #tpu.memory_space<vmem_shared>>, %arg12: memref<!tpu.dma_semaphore, #tpu.memory_space<semaphore_mem>>, %arg13: memref<!tpu.dma_semaphore, #tpu.memory_space<semaphore_mem>>) attributes {dimension_semantics = [#tpu.dimension_semantics<core_parallel>, #tpu.dimension_semantics<subcore_parallel>], iteration_bounds = array<i64: 2, 16>, scalar_prefetch = 0 : i64, scratch_operands = 7 : i64, tpu.core_type = #tpu.core_type<sc_vector_subcore>, window_params = [{transform_indices = #map}, {transform_indices = #map1}, {transform_indices = #map1}, {transform_indices = #map}, {transform_indices = #map1}]} {
    %mul3A = arith.constant 16 : i32
    %mul3A_0 = arith.muli %arg0, %mul3A : i32
    %add3A = arith.addi %mul3A_0, %arg1 : i32
    %mul3A_1 = arith.constant 632 : i32
    %mul3A_2 = arith.muli %arg1, %mul3A_1 : i32
    "tpu.region"() ({
      %run_scoped3A_37 = tpu.sem_alloc : memref<!tpu.dma_semaphore, #tpu.memory_space<semaphore_mem>>
      %dma_start3A_38 = arith.constant 0 : i32
      %dma_start3A_39 = tpu.memref_slice %arg11[%mul3A_2, %dma_start3A_38] : memref<10112x16xf32, #tpu.memory_space<vmem_shared>> -> memref<632x16xf32, #tpu.memory_space<vmem_shared>>
      tpu.enqueue_dma source(%arg5 : memref<632x16xf32, #tpu.memory_space<hbm>>) target(%dma_start3A_39 : memref<632x16xf32, #tpu.memory_space<vmem_shared>>) target_semaphore(%run_scoped3A_37 : memref<!tpu.dma_semaphore, #tpu.memory_space<semaphore_mem>>)
      %dma_wait3A_40 = arith.constant 0 : i32
      %dma_wait3A_41 = tpu.memref_slice %arg11[%mul3A_2, %dma_wait3A_40] : memref<10112x16xf32, #tpu.memory_space<vmem_shared>> -> memref<632x16xf32, #tpu.memory_space<vmem_shared>>
      tpu.wait_dma2 semaphore(%run_scoped3A_37 : memref<!tpu.dma_semaphore, #tpu.memory_space<semaphore_mem>>) src(%arg5 : memref<632x16xf32, #tpu.memory_space<hbm>>) dst(%dma_wait3A_41 : memref<632x16xf32, #tpu.memory_space<vmem_shared>>)
      tpu.yield
    }) : () -> ()
    %barrier3A = arith.constant 0 : index
    tpu.barrier barrier_id(%barrier3A)
    "tpu.region"() ({
      %run_scoped3A_37 = tpu.sem_alloc : memref<!tpu.dma_semaphore, #tpu.memory_space<semaphore_mem>>
      %dma_start3A_38 = arith.constant 0 : i32
      %dma_start3A_39 = arith.constant 0 : i32
      %dma_start3A_40 = tpu.memref_slice %arg3[%add3A, %dma_start3A_38, %dma_start3A_39] : memref<32x80x128xi32, #tpu.memory_space<hbm>> -> memref<1x80x128xi32, #tpu.memory_space<hbm>>
      %dma_start3A_41 = tpu.memref_squeeze %dma_start3A_40 : memref<1x80x128xi32, #tpu.memory_space<hbm>> -> memref<80x128xi32, #tpu.memory_space<hbm>>
      %dma_start3A_42 = arith.constant 0 : i32
      %dma_start3A_43 = arith.constant 0 : i32
      %dma_start3A_44 = tpu.memref_slice %arg3[%add3A, %dma_start3A_42, %dma_start3A_43] : memref<32x80x128xi32, #tpu.memory_space<hbm>> -> memref<1x80x128xi32, #tpu.memory_space<hbm>>
      %dma_start3A_45 = tpu.memref_squeeze %dma_start3A_44 : memref<1x80x128xi32, #tpu.memory_space<hbm>> -> memref<80x128xi32, #tpu.memory_space<hbm>>
      tpu.enqueue_dma source(%dma_start3A_45 : memref<80x128xi32, #tpu.memory_space<hbm>>) target(%arg7 : memref<80x128xi32, #tpu.memory_space<vmem>>) target_semaphore(%run_scoped3A_37 : memref<!tpu.dma_semaphore, #tpu.memory_space<semaphore_mem>>)
      %dma_wait3A_46 = arith.constant 0 : i32
      %dma_wait3A_47 = arith.constant 0 : i32
      %dma_wait3A_48 = tpu.memref_slice %arg3[%add3A, %dma_wait3A_46, %dma_wait3A_47] : memref<32x80x128xi32, #tpu.memory_space<hbm>> -> memref<1x80x128xi32, #tpu.memory_space<hbm>>
      %dma_wait3A_49 = tpu.memref_squeeze %dma_wait3A_48 : memref<1x80x128xi32, #tpu.memory_space<hbm>> -> memref<80x128xi32, #tpu.memory_space<hbm>>
      %dma_wait3A_50 = arith.constant 0 : i32
      %dma_wait3A_51 = arith.constant 0 : i32
      %dma_wait3A_52 = tpu.memref_slice %arg3[%add3A, %dma_wait3A_50, %dma_wait3A_51] : memref<32x80x128xi32, #tpu.memory_space<hbm>> -> memref<1x80x128xi32, #tpu.memory_space<hbm>>
      %dma_wait3A_53 = tpu.memref_squeeze %dma_wait3A_52 : memref<1x80x128xi32, #tpu.memory_space<hbm>> -> memref<80x128xi32, #tpu.memory_space<hbm>>
      tpu.wait_dma2 semaphore(%run_scoped3A_37 : memref<!tpu.dma_semaphore, #tpu.memory_space<semaphore_mem>>) src(%dma_wait3A_53 : memref<80x128xi32, #tpu.memory_space<hbm>>) dst(%arg7 : memref<80x128xi32, #tpu.memory_space<vmem>>)
      tpu.yield
    }) : () -> ()
    "tpu.region"() ({
      %run_scoped3A_37 = tpu.sem_alloc : memref<!tpu.dma_semaphore, #tpu.memory_space<semaphore_mem>>
      %dma_start3A_38 = arith.constant 0 : i32
      %dma_start3A_39 = arith.constant 0 : i32
      %dma_start3A_40 = tpu.memref_slice %arg4[%add3A, %dma_start3A_38, %dma_start3A_39] : memref<32x80x128xi32, #tpu.memory_space<hbm>> -> memref<1x80x128xi32, #tpu.memory_space<hbm>>
      %dma_start3A_41 = tpu.memref_squeeze %dma_start3A_40 : memref<1x80x128xi32, #tpu.memory_space<hbm>> -> memref<80x128xi32, #tpu.memory_space<hbm>>
      %dma_start3A_42 = arith.constant 0 : i32
      %dma_start3A_43 = arith.constant 0 : i32
      %dma_start3A_44 = tpu.memref_slice %arg4[%add3A, %dma_start3A_42, %dma_start3A_43] : memref<32x80x128xi32, #tpu.memory_space<hbm>> -> memref<1x80x128xi32, #tpu.memory_space<hbm>>
      %dma_start3A_45 = tpu.memref_squeeze %dma_start3A_44 : memref<1x80x128xi32, #tpu.memory_space<hbm>> -> memref<80x128xi32, #tpu.memory_space<hbm>>
      tpu.enqueue_dma source(%dma_start3A_45 : memref<80x128xi32, #tpu.memory_space<hbm>>) target(%arg8 : memref<80x128xi32, #tpu.memory_space<vmem>>) target_semaphore(%run_scoped3A_37 : memref<!tpu.dma_semaphore, #tpu.memory_space<semaphore_mem>>)
      %dma_wait3A_46 = arith.constant 0 : i32
      %dma_wait3A_47 = arith.constant 0 : i32
      %dma_wait3A_48 = tpu.memref_slice %arg4[%add3A, %dma_wait3A_46, %dma_wait3A_47] : memref<32x80x128xi32, #tpu.memory_space<hbm>> -> memref<1x80x128xi32, #tpu.memory_space<hbm>>
      %dma_wait3A_49 = tpu.memref_squeeze %dma_wait3A_48 : memref<1x80x128xi32, #tpu.memory_space<hbm>> -> memref<80x128xi32, #tpu.memory_space<hbm>>
      %dma_wait3A_50 = arith.constant 0 : i32
      %dma_wait3A_51 = arith.constant 0 : i32
      %dma_wait3A_52 = tpu.memref_slice %arg4[%add3A, %dma_wait3A_50, %dma_wait3A_51] : memref<32x80x128xi32, #tpu.memory_space<hbm>> -> memref<1x80x128xi32, #tpu.memory_space<hbm>>
      %dma_wait3A_53 = tpu.memref_squeeze %dma_wait3A_52 : memref<1x80x128xi32, #tpu.memory_space<hbm>> -> memref<80x128xi32, #tpu.memory_space<hbm>>
      tpu.wait_dma2 semaphore(%run_scoped3A_37 : memref<!tpu.dma_semaphore, #tpu.memory_space<semaphore_mem>>) src(%dma_wait3A_53 : memref<80x128xi32, #tpu.memory_space<hbm>>) dst(%arg8 : memref<80x128xi32, #tpu.memory_space<vmem>>)
      tpu.yield
    }) : () -> ()
    %dma_start3A = arith.constant 0 : i32
    %dma_start3A_3 = arith.constant 0 : i32
    %dma_start3A_4 = tpu.memref_slice %arg7[%dma_start3A, %dma_start3A_3] : memref<80x128xi32, #tpu.memory_space<vmem>> -> memref<1x128xi32, #tpu.memory_space<vmem>>
    %dma_start3A_5 = tpu.memref_squeeze %dma_start3A_4 : memref<1x128xi32, #tpu.memory_space<vmem>> -> memref<128xi32, #tpu.memory_space<vmem>>
    %dma_start3A_6 = arith.constant 0 : i32
    %dma_start3A_7 = arith.constant 0 : i32
    %dma_start3A_8 = tpu.memref_slice %arg2[%dma_start3A_6, %dma_start3A_7] : memref<10112x16xf32, #tpu.memory_space<hbm>> -> memref<10112x16xf32, #tpu.memory_space<hbm>>
    tpu.enqueue_indirect_dma source(%dma_start3A_8 : memref<10112x16xf32, #tpu.memory_space<hbm>>) target(%arg9 : memref<128x16xf32, #tpu.memory_space<vmem>>) offsets(%dma_start3A_5 : memref<128xi32, #tpu.memory_space<vmem>>) semaphore(%arg12 : memref<!tpu.dma_semaphore, #tpu.memory_space<semaphore_mem>>)
    %dma_start3A_9 = arith.constant 1 : i32
    %dma_start3A_10 = arith.constant 0 : i32
    %dma_start3A_11 = tpu.memref_slice %arg7[%dma_start3A_9, %dma_start3A_10] : memref<80x128xi32, #tpu.memory_space<vmem>> -> memref<1x128xi32, #tpu.memory_space<vmem>>
    %dma_start3A_12 = tpu.memref_squeeze %dma_start3A_11 : memref<1x128xi32, #tpu.memory_space<vmem>> -> memref<128xi32, #tpu.memory_space<vmem>>
    %dma_start3A_13 = arith.constant 0 : i32
    %dma_start3A_14 = arith.constant 0 : i32
    %dma_start3A_15 = tpu.memref_slice %arg2[%dma_start3A_13, %dma_start3A_14] : memref<10112x16xf32, #tpu.memory_space<hbm>> -> memref<10112x16xf32, #tpu.memory_space<hbm>>
    tpu.enqueue_indirect_dma source(%dma_start3A_15 : memref<10112x16xf32, #tpu.memory_space<hbm>>) target(%arg10 : memref<128x16xf32, #tpu.memory_space<vmem>>) offsets(%dma_start3A_12 : memref<128xi32, #tpu.memory_space<vmem>>) semaphore(%arg13 : memref<!tpu.dma_semaphore, #tpu.memory_space<semaphore_mem>>)
    %scan3A = arith.constant 0 : i32
    %scan3A_16 = arith.constant 39 : i32
    %scan3A_17 = arith.addi %scan3A, %scan3A_16 : i32
    %scan3A_18 = arith.constant 1 : i32
    scf.for %scan3A_37 = %scan3A to %scan3A_17 step %scan3A_18  : i32 {
      %mul3A_38 = arith.constant 2 : i32
      %mul3A_39 = arith.muli %scan3A_37, %mul3A_38 : i32
      %add3A_40 = arith.constant 0 : i32
      %add3A_41 = arith.addi %add3A_40, %mul3A_39 : i32
      %dma_wait3A_42 = arith.constant 0 : i32
      %dma_wait3A_43 = tpu.memref_slice %arg7[%add3A_41, %dma_wait3A_42] : memref<80x128xi32, #tpu.memory_space<vmem>> -> memref<1x128xi32, #tpu.memory_space<vmem>>
      %dma_wait3A_44 = tpu.memref_squeeze %dma_wait3A_43 : memref<1x128xi32, #tpu.memory_space<vmem>> -> memref<128xi32, #tpu.memory_space<vmem>>
      %dma_wait3A_45 = arith.constant 0 : i32
      %dma_wait3A_46 = arith.constant 0 : i32
      %dma_wait3A_47 = tpu.memref_slice %arg2[%dma_wait3A_45, %dma_wait3A_46] : memref<10112x16xf32, #tpu.memory_space<hbm>> -> memref<10112x16xf32, #tpu.memory_space<hbm>>
      tpu.wait_indirect_dma semaphore(%arg12 : memref<!tpu.dma_semaphore, #tpu.memory_space<semaphore_mem>>) src(%dma_wait3A_47 : memref<10112x16xf32, #tpu.memory_space<hbm>>) dst(%arg9 : memref<128x16xf32, #tpu.memory_space<vmem>>)
      "tpu.region"() ({
        %run_scoped3A_74 = tpu.sem_alloc : memref<!tpu.dma_semaphore, #tpu.memory_space<semaphore_mem>>
        %dma_start3A_75 = arith.constant 0 : i32
        %dma_start3A_76 = tpu.memref_slice %arg8[%add3A_41, %dma_start3A_75] : memref<80x128xi32, #tpu.memory_space<vmem>> -> memref<1x128xi32, #tpu.memory_space<vmem>>
        %dma_start3A_77 = tpu.memref_squeeze %dma_start3A_76 : memref<1x128xi32, #tpu.memory_space<vmem>> -> memref<128xi32, #tpu.memory_space<vmem>>
        %dma_start3A_78 = arith.constant 0 : i32
        %dma_start3A_79 = arith.constant 0 : i32
        %dma_start3A_80 = tpu.memref_slice %arg11[%dma_start3A_78, %dma_start3A_79] : memref<10112x16xf32, #tpu.memory_space<vmem_shared>> -> memref<10112x16xf32, #tpu.memory_space<vmem_shared>>
        tpu.enqueue_indirect_dma source(%arg9 : memref<128x16xf32, #tpu.memory_space<vmem>>) target(%dma_start3A_80 : memref<10112x16xf32, #tpu.memory_space<vmem_shared>>) offsets(%dma_start3A_77 : memref<128xi32, #tpu.memory_space<vmem>>) semaphore(%run_scoped3A_74 : memref<!tpu.dma_semaphore, #tpu.memory_space<semaphore_mem>>) {add = true}
        %dma_wait3A_81 = arith.constant 0 : i32
        %dma_wait3A_82 = tpu.memref_slice %arg8[%add3A_41, %dma_wait3A_81] : memref<80x128xi32, #tpu.memory_space<vmem>> -> memref<1x128xi32, #tpu.memory_space<vmem>>
        %dma_wait3A_83 = tpu.memref_squeeze %dma_wait3A_82 : memref<1x128xi32, #tpu.memory_space<vmem>> -> memref<128xi32, #tpu.memory_space<vmem>>
        %dma_wait3A_84 = arith.constant 0 : i32
        %dma_wait3A_85 = arith.constant 0 : i32
        %dma_wait3A_86 = tpu.memref_slice %arg11[%dma_wait3A_84, %dma_wait3A_85] : memref<10112x16xf32, #tpu.memory_space<vmem_shared>> -> memref<10112x16xf32, #tpu.memory_space<vmem_shared>>
        tpu.wait_indirect_dma semaphore(%run_scoped3A_74 : memref<!tpu.dma_semaphore, #tpu.memory_space<semaphore_mem>>) src(%arg9 : memref<128x16xf32, #tpu.memory_space<vmem>>) dst(%dma_wait3A_86 : memref<10112x16xf32, #tpu.memory_space<vmem_shared>>)
        tpu.yield
      }) : () -> ()
      %add3A_48 = arith.constant 2 : i32
      %add3A_49 = arith.addi %add3A_41, %add3A_48 : i32
      %dma_start3A_50 = arith.constant 0 : i32
      %dma_start3A_51 = tpu.memref_slice %arg7[%add3A_49, %dma_start3A_50] : memref<80x128xi32, #tpu.memory_space<vmem>> -> memref<1x128xi32, #tpu.memory_space<vmem>>
      %dma_start3A_52 = tpu.memref_squeeze %dma_start3A_51 : memref<1x128xi32, #tpu.memory_space<vmem>> -> memref<128xi32, #tpu.memory_space<vmem>>
      %dma_start3A_53 = arith.constant 0 : i32
      %dma_start3A_54 = arith.constant 0 : i32
      %dma_start3A_55 = tpu.memref_slice %arg2[%dma_start3A_53, %dma_start3A_54] : memref<10112x16xf32, #tpu.memory_space<hbm>> -> memref<10112x16xf32, #tpu.memory_space<hbm>>
      tpu.enqueue_indirect_dma source(%dma_start3A_55 : memref<10112x16xf32, #tpu.memory_space<hbm>>) target(%arg9 : memref<128x16xf32, #tpu.memory_space<vmem>>) offsets(%dma_start3A_52 : memref<128xi32, #tpu.memory_space<vmem>>) semaphore(%arg12 : memref<!tpu.dma_semaphore, #tpu.memory_space<semaphore_mem>>)
      %add3A_56 = arith.constant 1 : i32
      %add3A_57 = arith.addi %add3A_41, %add3A_56 : i32
      %dma_wait3A_58 = arith.constant 0 : i32
      %dma_wait3A_59 = tpu.memref_slice %arg7[%add3A_57, %dma_wait3A_58] : memref<80x128xi32, #tpu.memory_space<vmem>> -> memref<1x128xi32, #tpu.memory_space<vmem>>
      %dma_wait3A_60 = tpu.memref_squeeze %dma_wait3A_59 : memref<1x128xi32, #tpu.memory_space<vmem>> -> memref<128xi32, #tpu.memory_space<vmem>>
      %dma_wait3A_61 = arith.constant 0 : i32
      %dma_wait3A_62 = arith.constant 0 : i32
      %dma_wait3A_63 = tpu.memref_slice %arg2[%dma_wait3A_61, %dma_wait3A_62] : memref<10112x16xf32, #tpu.memory_space<hbm>> -> memref<10112x16xf32, #tpu.memory_space<hbm>>
      tpu.wait_indirect_dma semaphore(%arg13 : memref<!tpu.dma_semaphore, #tpu.memory_space<semaphore_mem>>) src(%dma_wait3A_63 : memref<10112x16xf32, #tpu.memory_space<hbm>>) dst(%arg10 : memref<128x16xf32, #tpu.memory_space<vmem>>)
      %add3A_64 = arith.constant 1 : i32
      %add3A_65 = arith.addi %add3A_41, %add3A_64 : i32
      "tpu.region"() ({
        %run_scoped3A_74 = tpu.sem_alloc : memref<!tpu.dma_semaphore, #tpu.memory_space<semaphore_mem>>
        %dma_start3A_75 = arith.constant 0 : i32
        %dma_start3A_76 = tpu.memref_slice %arg8[%add3A_65, %dma_start3A_75] : memref<80x128xi32, #tpu.memory_space<vmem>> -> memref<1x128xi32, #tpu.memory_space<vmem>>
        %dma_start3A_77 = tpu.memref_squeeze %dma_start3A_76 : memref<1x128xi32, #tpu.memory_space<vmem>> -> memref<128xi32, #tpu.memory_space<vmem>>
        %dma_start3A_78 = arith.constant 0 : i32
        %dma_start3A_79 = arith.constant 0 : i32
        %dma_start3A_80 = tpu.memref_slice %arg11[%dma_start3A_78, %dma_start3A_79] : memref<10112x16xf32, #tpu.memory_space<vmem_shared>> -> memref<10112x16xf32, #tpu.memory_space<vmem_shared>>
        tpu.enqueue_indirect_dma source(%arg10 : memref<128x16xf32, #tpu.memory_space<vmem>>) target(%dma_start3A_80 : memref<10112x16xf32, #tpu.memory_space<vmem_shared>>) offsets(%dma_start3A_77 : memref<128xi32, #tpu.memory_space<vmem>>) semaphore(%run_scoped3A_74 : memref<!tpu.dma_semaphore, #tpu.memory_space<semaphore_mem>>) {add = true}
        %dma_wait3A_81 = arith.constant 0 : i32
        %dma_wait3A_82 = tpu.memref_slice %arg8[%add3A_65, %dma_wait3A_81] : memref<80x128xi32, #tpu.memory_space<vmem>> -> memref<1x128xi32, #tpu.memory_space<vmem>>
        %dma_wait3A_83 = tpu.memref_squeeze %dma_wait3A_82 : memref<1x128xi32, #tpu.memory_space<vmem>> -> memref<128xi32, #tpu.memory_space<vmem>>
        %dma_wait3A_84 = arith.constant 0 : i32
        %dma_wait3A_85 = arith.constant 0 : i32
        %dma_wait3A_86 = tpu.memref_slice %arg11[%dma_wait3A_84, %dma_wait3A_85] : memref<10112x16xf32, #tpu.memory_space<vmem_shared>> -> memref<10112x16xf32, #tpu.memory_space<vmem_shared>>
        tpu.wait_indirect_dma semaphore(%run_scoped3A_74 : memref<!tpu.dma_semaphore, #tpu.memory_space<semaphore_mem>>) src(%arg10 : memref<128x16xf32, #tpu.memory_space<vmem>>) dst(%dma_wait3A_86 : memref<10112x16xf32, #tpu.memory_space<vmem_shared>>)
        tpu.yield
      }) : () -> ()
      %add3A_66 = arith.constant 3 : i32
      %add3A_67 = arith.addi %add3A_41, %add3A_66 : i32
      %dma_start3A_68 = arith.constant 0 : i32
      %dma_start3A_69 = tpu.memref_slice %arg7[%add3A_67, %dma_start3A_68] : memref<80x128xi32, #tpu.memory_space<vmem>> -> memref<1x128xi32, #tpu.memory_space<vmem>>
      %dma_start3A_70 = tpu.memref_squeeze %dma_start3A_69 : memref<1x128xi32, #tpu.memory_space<vmem>> -> memref<128xi32, #tpu.memory_space<vmem>>
      %dma_start3A_71 = arith.constant 0 : i32
      %dma_start3A_72 = arith.constant 0 : i32
      %dma_start3A_73 = tpu.memref_slice %arg2[%dma_start3A_71, %dma_start3A_72] : memref<10112x16xf32, #tpu.memory_space<hbm>> -> memref<10112x16xf32, #tpu.memory_space<hbm>>
      tpu.enqueue_indirect_dma source(%dma_start3A_73 : memref<10112x16xf32, #tpu.memory_space<hbm>>) target(%arg10 : memref<128x16xf32, #tpu.memory_space<vmem>>) offsets(%dma_start3A_70 : memref<128xi32, #tpu.memory_space<vmem>>) semaphore(%arg13 : memref<!tpu.dma_semaphore, #tpu.memory_space<semaphore_mem>>)
    }
    %scan3A_19 = arith.constant 39 : i32
    %dma_wait3A = arith.constant 78 : i32
    %dma_wait3A_20 = arith.constant 0 : i32
    %dma_wait3A_21 = tpu.memref_slice %arg7[%dma_wait3A, %dma_wait3A_20] : memref<80x128xi32, #tpu.memory_space<vmem>> -> memref<1x128xi32, #tpu.memory_space<vmem>>
    %dma_wait3A_22 = tpu.memref_squeeze %dma_wait3A_21 : memref<1x128xi32, #tpu.memory_space<vmem>> -> memref<128xi32, #tpu.memory_space<vmem>>
    %dma_wait3A_23 = arith.constant 0 : i32
    %dma_wait3A_24 = arith.constant 0 : i32
    %dma_wait3A_25 = tpu.memref_slice %arg2[%dma_wait3A_23, %dma_wait3A_24] : memref<10112x16xf32, #tpu.memory_space<hbm>> -> memref<10112x16xf32, #tpu.memory_space<hbm>>
    tpu.wait_indirect_dma semaphore(%arg12 : memref<!tpu.dma_semaphore, #tpu.memory_space<semaphore_mem>>) src(%dma_wait3A_25 : memref<10112x16xf32, #tpu.memory_space<hbm>>) dst(%arg9 : memref<128x16xf32, #tpu.memory_space<vmem>>)
    %run_scoped3A = arith.constant 78 : i32
    "tpu.region"() ({
      %run_scoped3A_37 = tpu.sem_alloc : memref<!tpu.dma_semaphore, #tpu.memory_space<semaphore_mem>>
      %dma_start3A_38 = arith.constant 0 : i32
      %dma_start3A_39 = tpu.memref_slice %arg8[%run_scoped3A, %dma_start3A_38] : memref<80x128xi32, #tpu.memory_space<vmem>> -> memref<1x128xi32, #tpu.memory_space<vmem>>
      %dma_start3A_40 = tpu.memref_squeeze %dma_start3A_39 : memref<1x128xi32, #tpu.memory_space<vmem>> -> memref<128xi32, #tpu.memory_space<vmem>>
      %dma_start3A_41 = arith.constant 0 : i32
      %dma_start3A_42 = arith.constant 0 : i32
      %dma_start3A_43 = tpu.memref_slice %arg11[%dma_start3A_41, %dma_start3A_42] : memref<10112x16xf32, #tpu.memory_space<vmem_shared>> -> memref<10112x16xf32, #tpu.memory_space<vmem_shared>>
      tpu.enqueue_indirect_dma source(%arg9 : memref<128x16xf32, #tpu.memory_space<vmem>>) target(%dma_start3A_43 : memref<10112x16xf32, #tpu.memory_space<vmem_shared>>) offsets(%dma_start3A_40 : memref<128xi32, #tpu.memory_space<vmem>>) semaphore(%run_scoped3A_37 : memref<!tpu.dma_semaphore, #tpu.memory_space<semaphore_mem>>) {add = true}
      %dma_wait3A_44 = arith.constant 0 : i32
      %dma_wait3A_45 = tpu.memref_slice %arg8[%run_scoped3A, %dma_wait3A_44] : memref<80x128xi32, #tpu.memory_space<vmem>> -> memref<1x128xi32, #tpu.memory_space<vmem>>
      %dma_wait3A_46 = tpu.memref_squeeze %dma_wait3A_45 : memref<1x128xi32, #tpu.memory_space<vmem>> -> memref<128xi32, #tpu.memory_space<vmem>>
      %dma_wait3A_47 = arith.constant 0 : i32
      %dma_wait3A_48 = arith.constant 0 : i32
      %dma_wait3A_49 = tpu.memref_slice %arg11[%dma_wait3A_47, %dma_wait3A_48] : memref<10112x16xf32, #tpu.memory_space<vmem_shared>> -> memref<10112x16xf32, #tpu.memory_space<vmem_shared>>
      tpu.wait_indirect_dma semaphore(%run_scoped3A_37 : memref<!tpu.dma_semaphore, #tpu.memory_space<semaphore_mem>>) src(%arg9 : memref<128x16xf32, #tpu.memory_space<vmem>>) dst(%dma_wait3A_49 : memref<10112x16xf32, #tpu.memory_space<vmem_shared>>)
      tpu.yield
    }) : () -> ()
    %dma_wait3A_26 = arith.constant 79 : i32
    %dma_wait3A_27 = arith.constant 0 : i32
    %dma_wait3A_28 = tpu.memref_slice %arg7[%dma_wait3A_26, %dma_wait3A_27] : memref<80x128xi32, #tpu.memory_space<vmem>> -> memref<1x128xi32, #tpu.memory_space<vmem>>
    %dma_wait3A_29 = tpu.memref_squeeze %dma_wait3A_28 : memref<1x128xi32, #tpu.memory_space<vmem>> -> memref<128xi32, #tpu.memory_space<vmem>>
    %dma_wait3A_30 = arith.constant 0 : i32
    %dma_wait3A_31 = arith.constant 0 : i32
    %dma_wait3A_32 = tpu.memref_slice %arg2[%dma_wait3A_30, %dma_wait3A_31] : memref<10112x16xf32, #tpu.memory_space<hbm>> -> memref<10112x16xf32, #tpu.memory_space<hbm>>
    tpu.wait_indirect_dma semaphore(%arg13 : memref<!tpu.dma_semaphore, #tpu.memory_space<semaphore_mem>>) src(%dma_wait3A_32 : memref<10112x16xf32, #tpu.memory_space<hbm>>) dst(%arg10 : memref<128x16xf32, #tpu.memory_space<vmem>>)
    %run_scoped3A_33 = arith.constant 79 : i32
    "tpu.region"() ({
      %run_scoped3A_37 = tpu.sem_alloc : memref<!tpu.dma_semaphore, #tpu.memory_space<semaphore_mem>>
      %dma_start3A_38 = arith.constant 0 : i32
      %dma_start3A_39 = tpu.memref_slice %arg8[%run_scoped3A_33, %dma_start3A_38] : memref<80x128xi32, #tpu.memory_space<vmem>> -> memref<1x128xi32, #tpu.memory_space<vmem>>
      %dma_start3A_40 = tpu.memref_squeeze %dma_start3A_39 : memref<1x128xi32, #tpu.memory_space<vmem>> -> memref<128xi32, #tpu.memory_space<vmem>>
      %dma_start3A_41 = arith.constant 0 : i32
      %dma_start3A_42 = arith.constant 0 : i32
      %dma_start3A_43 = tpu.memref_slice %arg11[%dma_start3A_41, %dma_start3A_42] : memref<10112x16xf32, #tpu.memory_space<vmem_shared>> -> memref<10112x16xf32, #tpu.memory_space<vmem_shared>>
      tpu.enqueue_indirect_dma source(%arg10 : memref<128x16xf32, #tpu.memory_space<vmem>>) target(%dma_start3A_43 : memref<10112x16xf32, #tpu.memory_space<vmem_shared>>) offsets(%dma_start3A_40 : memref<128xi32, #tpu.memory_space<vmem>>) semaphore(%run_scoped3A_37 : memref<!tpu.dma_semaphore, #tpu.memory_space<semaphore_mem>>) {add = true}
      %dma_wait3A_44 = arith.constant 0 : i32
      %dma_wait3A_45 = tpu.memref_slice %arg8[%run_scoped3A_33, %dma_wait3A_44] : memref<80x128xi32, #tpu.memory_space<vmem>> -> memref<1x128xi32, #tpu.memory_space<vmem>>
      %dma_wait3A_46 = tpu.memref_squeeze %dma_wait3A_45 : memref<1x128xi32, #tpu.memory_space<vmem>> -> memref<128xi32, #tpu.memory_space<vmem>>
      %dma_wait3A_47 = arith.constant 0 : i32
      %dma_wait3A_48 = arith.constant 0 : i32
      %dma_wait3A_49 = tpu.memref_slice %arg11[%dma_wait3A_47, %dma_wait3A_48] : memref<10112x16xf32, #tpu.memory_space<vmem_shared>> -> memref<10112x16xf32, #tpu.memory_space<vmem_shared>>
      tpu.wait_indirect_dma semaphore(%run_scoped3A_37 : memref<!tpu.dma_semaphore, #tpu.memory_space<semaphore_mem>>) src(%arg10 : memref<128x16xf32, #tpu.memory_space<vmem>>) dst(%dma_wait3A_49 : memref<10112x16xf32, #tpu.memory_space<vmem_shared>>)
      tpu.yield
    }) : () -> ()
    %barrier3A_34 = arith.constant 0 : index
    tpu.barrier barrier_id(%barrier3A_34)
    %mul3A_35 = arith.constant 632 : i32
    %mul3A_36 = arith.muli %arg1, %mul3A_35 : i32
    "tpu.region"() ({
      %run_scoped3A_37 = tpu.sem_alloc : memref<!tpu.dma_semaphore, #tpu.memory_space<semaphore_mem>>
      %dma_start3A_38 = arith.constant 0 : i32
      %dma_start3A_39 = tpu.memref_slice %arg6[%arg0, %mul3A_36, %dma_start3A_38] : memref<2x10112x16xf32, #tpu.memory_space<hbm>> -> memref<1x632x16xf32, #tpu.memory_space<hbm>>
      %dma_start3A_40 = tpu.memref_squeeze %dma_start3A_39 : memref<1x632x16xf32, #tpu.memory_space<hbm>> -> memref<632x16xf32, #tpu.memory_space<hbm>>
      %dma_start3A_41 = arith.constant 0 : i32
      %dma_start3A_42 = tpu.memref_slice %arg11[%mul3A_36, %dma_start3A_41] : memref<10112x16xf32, #tpu.memory_space<vmem_shared>> -> memref<632x16xf32, #tpu.memory_space<vmem_shared>>
      tpu.enqueue_dma source(%dma_start3A_42 : memref<632x16xf32, #tpu.memory_space<vmem_shared>>) target(%dma_start3A_40 : memref<632x16xf32, #tpu.memory_space<hbm>>) target_semaphore(%run_scoped3A_37 : memref<!tpu.dma_semaphore, #tpu.memory_space<semaphore_mem>>)
      %dma_wait3A_43 = arith.constant 0 : i32
      %dma_wait3A_44 = tpu.memref_slice %arg6[%arg0, %mul3A_36, %dma_wait3A_43] : memref<2x10112x16xf32, #tpu.memory_space<hbm>> -> memref<1x632x16xf32, #tpu.memory_space<hbm>>
      %dma_wait3A_45 = tpu.memref_squeeze %dma_wait3A_44 : memref<1x632x16xf32, #tpu.memory_space<hbm>> -> memref<632x16xf32, #tpu.memory_space<hbm>>
      %dma_wait3A_46 = arith.constant 0 : i32
      %dma_wait3A_47 = tpu.memref_slice %arg11[%mul3A_36, %dma_wait3A_46] : memref<10112x16xf32, #tpu.memory_space<vmem_shared>> -> memref<632x16xf32, #tpu.memory_space<vmem_shared>>
      tpu.wait_dma2 semaphore(%run_scoped3A_37 : memref<!tpu.dma_semaphore, #tpu.memory_space<semaphore_mem>>) src(%dma_wait3A_47 : memref<632x16xf32, #tpu.memory_space<vmem_shared>>) dst(%dma_wait3A_45 : memref<632x16xf32, #tpu.memory_space<hbm>>)
      tpu.yield
    }) : () -> ()
    return
  }
}

#map = affine_map<(d0, d1) -> (0, 0)>
#map1 = affine_map<(d0, d1) -> (0, 0, 0)>
module attributes {stable_mosaic.version = 14 : i64} {
  func.func @segsum(%arg0: i32, %arg1: i32, %arg2: memref<10112x128xf32, #tpu.memory_space<hbm>>, %arg3: memref<32x80x128xi32, #tpu.memory_space<hbm>>, %arg4: memref<32x80x128xi32, #tpu.memory_space<hbm>>, %arg5: memref<632x128xf32, #tpu.memory_space<hbm>>, %arg6: memref<2x10112x128xf32, #tpu.memory_space<hbm>>, %arg7: memref<80x128xi32, #tpu.memory_space<vmem>>, %arg8: memref<80x128xi32, #tpu.memory_space<vmem>>, %arg9: memref<128x128xf32, #tpu.memory_space<vmem>>, %arg10: memref<10112x128xf32, #tpu.memory_space<vmem_shared>>, %arg11: memref<!tpu.dma_semaphore, #tpu.memory_space<semaphore_mem>>) attributes {dimension_semantics = [#tpu.dimension_semantics<core_parallel>, #tpu.dimension_semantics<subcore_parallel>], iteration_bounds = array<i64: 2, 16>, scalar_prefetch = 0 : i64, scratch_operands = 5 : i64, tpu.core_type = #tpu.core_type<sc_vector_subcore>, window_params = [{transform_indices = #map}, {transform_indices = #map1}, {transform_indices = #map1}, {transform_indices = #map}, {transform_indices = #map1}]} {
    %mul3A = arith.constant 16 : i32
    %mul3A_0 = arith.muli %arg0, %mul3A : i32
    %add3A = arith.addi %mul3A_0, %arg1 : i32
    %mul3A_1 = arith.constant 632 : i32
    %mul3A_2 = arith.muli %arg1, %mul3A_1 : i32
    "tpu.region"() ({
      %run_scoped3A = tpu.sem_alloc : memref<!tpu.dma_semaphore, #tpu.memory_space<semaphore_mem>>
      %dma_start3A = arith.constant 0 : i32
      %dma_start3A_11 = tpu.memref_slice %arg10[%mul3A_2, %dma_start3A] : memref<10112x128xf32, #tpu.memory_space<vmem_shared>> -> memref<632x128xf32, #tpu.memory_space<vmem_shared>>
      tpu.enqueue_dma source(%arg5 : memref<632x128xf32, #tpu.memory_space<hbm>>) target(%dma_start3A_11 : memref<632x128xf32, #tpu.memory_space<vmem_shared>>) target_semaphore(%run_scoped3A : memref<!tpu.dma_semaphore, #tpu.memory_space<semaphore_mem>>)
      %dma_wait3A = arith.constant 0 : i32
      %dma_wait3A_12 = tpu.memref_slice %arg10[%mul3A_2, %dma_wait3A] : memref<10112x128xf32, #tpu.memory_space<vmem_shared>> -> memref<632x128xf32, #tpu.memory_space<vmem_shared>>
      tpu.wait_dma2 semaphore(%run_scoped3A : memref<!tpu.dma_semaphore, #tpu.memory_space<semaphore_mem>>) src(%arg5 : memref<632x128xf32, #tpu.memory_space<hbm>>) dst(%dma_wait3A_12 : memref<632x128xf32, #tpu.memory_space<vmem_shared>>)
      tpu.yield
    }) : () -> ()
    %barrier3A = arith.constant 0 : index
    tpu.barrier barrier_id(%barrier3A)
    "tpu.region"() ({
      %run_scoped3A = tpu.sem_alloc : memref<!tpu.dma_semaphore, #tpu.memory_space<semaphore_mem>>
      %dma_start3A = arith.constant 0 : i32
      %dma_start3A_11 = arith.constant 0 : i32
      %dma_start3A_12 = tpu.memref_slice %arg3[%add3A, %dma_start3A, %dma_start3A_11] : memref<32x80x128xi32, #tpu.memory_space<hbm>> -> memref<1x80x128xi32, #tpu.memory_space<hbm>>
      %dma_start3A_13 = tpu.memref_squeeze %dma_start3A_12 : memref<1x80x128xi32, #tpu.memory_space<hbm>> -> memref<80x128xi32, #tpu.memory_space<hbm>>
      %dma_start3A_14 = arith.constant 0 : i32
      %dma_start3A_15 = arith.constant 0 : i32
      %dma_start3A_16 = tpu.memref_slice %arg3[%add3A, %dma_start3A_14, %dma_start3A_15] : memref<32x80x128xi32, #tpu.memory_space<hbm>> -> memref<1x80x128xi32, #tpu.memory_space<hbm>>
      %dma_start3A_17 = tpu.memref_squeeze %dma_start3A_16 : memref<1x80x128xi32, #tpu.memory_space<hbm>> -> memref<80x128xi32, #tpu.memory_space<hbm>>
      tpu.enqueue_dma source(%dma_start3A_17 : memref<80x128xi32, #tpu.memory_space<hbm>>) target(%arg7 : memref<80x128xi32, #tpu.memory_space<vmem>>) target_semaphore(%run_scoped3A : memref<!tpu.dma_semaphore, #tpu.memory_space<semaphore_mem>>)
      %dma_wait3A = arith.constant 0 : i32
      %dma_wait3A_18 = arith.constant 0 : i32
      %dma_wait3A_19 = tpu.memref_slice %arg3[%add3A, %dma_wait3A, %dma_wait3A_18] : memref<32x80x128xi32, #tpu.memory_space<hbm>> -> memref<1x80x128xi32, #tpu.memory_space<hbm>>
      %dma_wait3A_20 = tpu.memref_squeeze %dma_wait3A_19 : memref<1x80x128xi32, #tpu.memory_space<hbm>> -> memref<80x128xi32, #tpu.memory_space<hbm>>
      %dma_wait3A_21 = arith.constant 0 : i32
      %dma_wait3A_22 = arith.constant 0 : i32
      %dma_wait3A_23 = tpu.memref_slice %arg3[%add3A, %dma_wait3A_21, %dma_wait3A_22] : memref<32x80x128xi32, #tpu.memory_space<hbm>> -> memref<1x80x128xi32, #tpu.memory_space<hbm>>
      %dma_wait3A_24 = tpu.memref_squeeze %dma_wait3A_23 : memref<1x80x128xi32, #tpu.memory_space<hbm>> -> memref<80x128xi32, #tpu.memory_space<hbm>>
      tpu.wait_dma2 semaphore(%run_scoped3A : memref<!tpu.dma_semaphore, #tpu.memory_space<semaphore_mem>>) src(%dma_wait3A_24 : memref<80x128xi32, #tpu.memory_space<hbm>>) dst(%arg7 : memref<80x128xi32, #tpu.memory_space<vmem>>)
      tpu.yield
    }) : () -> ()
    "tpu.region"() ({
      %run_scoped3A = tpu.sem_alloc : memref<!tpu.dma_semaphore, #tpu.memory_space<semaphore_mem>>
      %dma_start3A = arith.constant 0 : i32
      %dma_start3A_11 = arith.constant 0 : i32
      %dma_start3A_12 = tpu.memref_slice %arg4[%add3A, %dma_start3A, %dma_start3A_11] : memref<32x80x128xi32, #tpu.memory_space<hbm>> -> memref<1x80x128xi32, #tpu.memory_space<hbm>>
      %dma_start3A_13 = tpu.memref_squeeze %dma_start3A_12 : memref<1x80x128xi32, #tpu.memory_space<hbm>> -> memref<80x128xi32, #tpu.memory_space<hbm>>
      %dma_start3A_14 = arith.constant 0 : i32
      %dma_start3A_15 = arith.constant 0 : i32
      %dma_start3A_16 = tpu.memref_slice %arg4[%add3A, %dma_start3A_14, %dma_start3A_15] : memref<32x80x128xi32, #tpu.memory_space<hbm>> -> memref<1x80x128xi32, #tpu.memory_space<hbm>>
      %dma_start3A_17 = tpu.memref_squeeze %dma_start3A_16 : memref<1x80x128xi32, #tpu.memory_space<hbm>> -> memref<80x128xi32, #tpu.memory_space<hbm>>
      tpu.enqueue_dma source(%dma_start3A_17 : memref<80x128xi32, #tpu.memory_space<hbm>>) target(%arg8 : memref<80x128xi32, #tpu.memory_space<vmem>>) target_semaphore(%run_scoped3A : memref<!tpu.dma_semaphore, #tpu.memory_space<semaphore_mem>>)
      %dma_wait3A = arith.constant 0 : i32
      %dma_wait3A_18 = arith.constant 0 : i32
      %dma_wait3A_19 = tpu.memref_slice %arg4[%add3A, %dma_wait3A, %dma_wait3A_18] : memref<32x80x128xi32, #tpu.memory_space<hbm>> -> memref<1x80x128xi32, #tpu.memory_space<hbm>>
      %dma_wait3A_20 = tpu.memref_squeeze %dma_wait3A_19 : memref<1x80x128xi32, #tpu.memory_space<hbm>> -> memref<80x128xi32, #tpu.memory_space<hbm>>
      %dma_wait3A_21 = arith.constant 0 : i32
      %dma_wait3A_22 = arith.constant 0 : i32
      %dma_wait3A_23 = tpu.memref_slice %arg4[%add3A, %dma_wait3A_21, %dma_wait3A_22] : memref<32x80x128xi32, #tpu.memory_space<hbm>> -> memref<1x80x128xi32, #tpu.memory_space<hbm>>
      %dma_wait3A_24 = tpu.memref_squeeze %dma_wait3A_23 : memref<1x80x128xi32, #tpu.memory_space<hbm>> -> memref<80x128xi32, #tpu.memory_space<hbm>>
      tpu.wait_dma2 semaphore(%run_scoped3A : memref<!tpu.dma_semaphore, #tpu.memory_space<semaphore_mem>>) src(%dma_wait3A_24 : memref<80x128xi32, #tpu.memory_space<hbm>>) dst(%arg8 : memref<80x128xi32, #tpu.memory_space<vmem>>)
      tpu.yield
    }) : () -> ()
    %scan3A = arith.constant 0 : i32
    %scan3A_3 = arith.constant 0 : i32
    %scan3A_4 = arith.constant 80 : i32
    %scan3A_5 = arith.addi %scan3A_3, %scan3A_4 : i32
    %scan3A_6 = arith.constant 1 : i32
    scf.for %scan3A_11 = %scan3A_3 to %scan3A_5 step %scan3A_6  : i32 {
      %dma_start3A = arith.constant 0 : i32
      %dma_start3A_12 = tpu.memref_slice %arg7[%scan3A_11, %dma_start3A] : memref<80x128xi32, #tpu.memory_space<vmem>> -> memref<1x128xi32, #tpu.memory_space<vmem>>
      %dma_start3A_13 = tpu.memref_squeeze %dma_start3A_12 : memref<1x128xi32, #tpu.memory_space<vmem>> -> memref<128xi32, #tpu.memory_space<vmem>>
      %dma_start3A_14 = arith.constant 0 : i32
      %dma_start3A_15 = arith.constant 0 : i32
      %dma_start3A_16 = tpu.memref_slice %arg2[%dma_start3A_14, %dma_start3A_15] : memref<10112x128xf32, #tpu.memory_space<hbm>> -> memref<10112x128xf32, #tpu.memory_space<hbm>>
      tpu.enqueue_indirect_dma source(%dma_start3A_16 : memref<10112x128xf32, #tpu.memory_space<hbm>>) target(%arg9 : memref<128x128xf32, #tpu.memory_space<vmem>>) offsets(%dma_start3A_13 : memref<128xi32, #tpu.memory_space<vmem>>) semaphore(%arg11 : memref<!tpu.dma_semaphore, #tpu.memory_space<semaphore_mem>>)
      %dma_wait3A = arith.constant 0 : i32
      %dma_wait3A_17 = tpu.memref_slice %arg7[%scan3A_11, %dma_wait3A] : memref<80x128xi32, #tpu.memory_space<vmem>> -> memref<1x128xi32, #tpu.memory_space<vmem>>
      %dma_wait3A_18 = tpu.memref_squeeze %dma_wait3A_17 : memref<1x128xi32, #tpu.memory_space<vmem>> -> memref<128xi32, #tpu.memory_space<vmem>>
      %dma_wait3A_19 = arith.constant 0 : i32
      %dma_wait3A_20 = arith.constant 0 : i32
      %dma_wait3A_21 = tpu.memref_slice %arg2[%dma_wait3A_19, %dma_wait3A_20] : memref<10112x128xf32, #tpu.memory_space<hbm>> -> memref<10112x128xf32, #tpu.memory_space<hbm>>
      tpu.wait_indirect_dma semaphore(%arg11 : memref<!tpu.dma_semaphore, #tpu.memory_space<semaphore_mem>>) src(%dma_wait3A_21 : memref<10112x128xf32, #tpu.memory_space<hbm>>) dst(%arg9 : memref<128x128xf32, #tpu.memory_space<vmem>>)
      "tpu.region"() ({
        %run_scoped3A = tpu.sem_alloc : memref<!tpu.dma_semaphore, #tpu.memory_space<semaphore_mem>>
        %dma_start3A_22 = arith.constant 0 : i32
        %dma_start3A_23 = tpu.memref_slice %arg8[%scan3A_11, %dma_start3A_22] : memref<80x128xi32, #tpu.memory_space<vmem>> -> memref<1x128xi32, #tpu.memory_space<vmem>>
        %dma_start3A_24 = tpu.memref_squeeze %dma_start3A_23 : memref<1x128xi32, #tpu.memory_space<vmem>> -> memref<128xi32, #tpu.memory_space<vmem>>
        %dma_start3A_25 = arith.constant 0 : i32
        %dma_start3A_26 = arith.constant 0 : i32
        %dma_start3A_27 = tpu.memref_slice %arg10[%dma_start3A_25, %dma_start3A_26] : memref<10112x128xf32, #tpu.memory_space<vmem_shared>> -> memref<10112x128xf32, #tpu.memory_space<vmem_shared>>
        tpu.enqueue_indirect_dma source(%arg9 : memref<128x128xf32, #tpu.memory_space<vmem>>) target(%dma_start3A_27 : memref<10112x128xf32, #tpu.memory_space<vmem_shared>>) offsets(%dma_start3A_24 : memref<128xi32, #tpu.memory_space<vmem>>) semaphore(%run_scoped3A : memref<!tpu.dma_semaphore, #tpu.memory_space<semaphore_mem>>) {add = true}
        %dma_wait3A_28 = arith.constant 0 : i32
        %dma_wait3A_29 = tpu.memref_slice %arg8[%scan3A_11, %dma_wait3A_28] : memref<80x128xi32, #tpu.memory_space<vmem>> -> memref<1x128xi32, #tpu.memory_space<vmem>>
        %dma_wait3A_30 = tpu.memref_squeeze %dma_wait3A_29 : memref<1x128xi32, #tpu.memory_space<vmem>> -> memref<128xi32, #tpu.memory_space<vmem>>
        %dma_wait3A_31 = arith.constant 0 : i32
        %dma_wait3A_32 = arith.constant 0 : i32
        %dma_wait3A_33 = tpu.memref_slice %arg10[%dma_wait3A_31, %dma_wait3A_32] : memref<10112x128xf32, #tpu.memory_space<vmem_shared>> -> memref<10112x128xf32, #tpu.memory_space<vmem_shared>>
        tpu.wait_indirect_dma semaphore(%run_scoped3A : memref<!tpu.dma_semaphore, #tpu.memory_space<semaphore_mem>>) src(%arg9 : memref<128x128xf32, #tpu.memory_space<vmem>>) dst(%dma_wait3A_33 : memref<10112x128xf32, #tpu.memory_space<vmem_shared>>)
        tpu.yield
      }) : () -> ()
    }
    %scan3A_7 = arith.constant 80 : i32
    %barrier3A_8 = arith.constant 0 : index
    tpu.barrier barrier_id(%barrier3A_8)
    %mul3A_9 = arith.constant 632 : i32
    %mul3A_10 = arith.muli %arg1, %mul3A_9 : i32
    "tpu.region"() ({
      %run_scoped3A = tpu.sem_alloc : memref<!tpu.dma_semaphore, #tpu.memory_space<semaphore_mem>>
      %dma_start3A = arith.constant 0 : i32
      %dma_start3A_11 = tpu.memref_slice %arg6[%arg0, %mul3A_10, %dma_start3A] : memref<2x10112x128xf32, #tpu.memory_space<hbm>> -> memref<1x632x128xf32, #tpu.memory_space<hbm>>
      %dma_start3A_12 = tpu.memref_squeeze %dma_start3A_11 : memref<1x632x128xf32, #tpu.memory_space<hbm>> -> memref<632x128xf32, #tpu.memory_space<hbm>>
      %dma_start3A_13 = arith.constant 0 : i32
      %dma_start3A_14 = tpu.memref_slice %arg10[%mul3A_10, %dma_start3A_13] : memref<10112x128xf32, #tpu.memory_space<vmem_shared>> -> memref<632x128xf32, #tpu.memory_space<vmem_shared>>
      tpu.enqueue_dma source(%dma_start3A_14 : memref<632x128xf32, #tpu.memory_space<vmem_shared>>) target(%dma_start3A_12 : memref<632x128xf32, #tpu.memory_space<hbm>>) target_semaphore(%run_scoped3A : memref<!tpu.dma_semaphore, #tpu.memory_space<semaphore_mem>>)
      %dma_wait3A = arith.constant 0 : i32
      %dma_wait3A_15 = tpu.memref_slice %arg6[%arg0, %mul3A_10, %dma_wait3A] : memref<2x10112x128xf32, #tpu.memory_space<hbm>> -> memref<1x632x128xf32, #tpu.memory_space<hbm>>
      %dma_wait3A_16 = tpu.memref_squeeze %dma_wait3A_15 : memref<1x632x128xf32, #tpu.memory_space<hbm>> -> memref<632x128xf32, #tpu.memory_space<hbm>>
      %dma_wait3A_17 = arith.constant 0 : i32
      %dma_wait3A_18 = tpu.memref_slice %arg10[%mul3A_10, %dma_wait3A_17] : memref<10112x128xf32, #tpu.memory_space<vmem_shared>> -> memref<632x128xf32, #tpu.memory_space<vmem_shared>>
      tpu.wait_dma2 semaphore(%run_scoped3A : memref<!tpu.dma_semaphore, #tpu.memory_space<semaphore_mem>>) src(%dma_wait3A_18 : memref<632x128xf32, #tpu.memory_space<vmem_shared>>) dst(%dma_wait3A_16 : memref<632x128xf32, #tpu.memory_space<hbm>>)
      tpu.yield
    }) : () -> ()
    return
  }
}

module attributes {stable_mosaic.version = 14 : i64} {
  func.func @_mm1_body(%arg0: i32, %arg1: memref<2528x128xf32, #tpu.memory_space<vmem>>, %arg2: memref<128x128xf32, #tpu.memory_space<vmem>>, %arg3: memref<2x2x2528x8xf32, #tpu.memory_space<vmem>>, %arg4: memref<2528x128xf32, #tpu.memory_space<vmem>>) attributes {dimension_semantics = [#tpu.dimension_semantics<arbitrary>], iteration_bounds = array<i64: 4>, scalar_prefetch = 0 : i64, scratch_operands = 0 : i64, tpu.core_type = #tpu.core_type<tc>, window_params = [{transform_indices = @transform_0, window_bounds = array<i64: 2528, 128>}, {pipeline_mode = #tpu.pipeline_mode<synchronous>, transform_indices = @transform_1, window_bounds = array<i64: 128, 128>}, {transform_indices = @transform_2, window_bounds = array<i64: 2, 2, 2528, 8>}, {transform_indices = @transform_3, window_bounds = array<i64: 2528, 128>}]} {
    %get3A = arith.constant 0 : index
    %get3A_0 = arith.constant 0 : index
    %get3A_1 = arith.constant 0 : index
    %get3A_2 = arith.constant 0 : index
    %get3A_3 = vector.load %arg3[%get3A, %get3A_0, %get3A_1, %get3A_2] : memref<2x2x2528x8xf32, #tpu.memory_space<vmem>>, vector<1x1x2528x8xf32>
    %get3A_4 = vector.shape_cast %get3A_3 : vector<1x1x2528x8xf32> to vector<2528x8xf32>
    %slice3A = vector.extract_strided_slice %get3A_4 {offsets = [0, 0], sizes = [2528, 1], strides = [1, 1]} : vector<2528x8xf32> to vector<2528x1xf32>
    %get3A_5 = arith.constant 1 : index
    %get3A_6 = arith.constant 0 : index
    %get3A_7 = arith.constant 0 : index
    %get3A_8 = arith.constant 0 : index
    %get3A_9 = vector.load %arg3[%get3A_5, %get3A_6, %get3A_7, %get3A_8] : memref<2x2x2528x8xf32, #tpu.memory_space<vmem>>, vector<1x1x2528x8xf32>
    %get3A_10 = vector.shape_cast %get3A_9 : vector<1x1x2528x8xf32> to vector<2528x8xf32>
    %slice3A_11 = vector.extract_strided_slice %get3A_10 {offsets = [0, 0], sizes = [2528, 1], strides = [1, 1]} : vector<2528x8xf32> to vector<2528x1xf32>
    %add3A = arith.addf %slice3A, %slice3A_11 : vector<2528x1xf32>
    %max3A = arith.constant 1.000000e+00 : f32
    %max3A_12 = vector.broadcast %max3A : f32 to vector<2528x1xf32>
    %max3A_13 = arith.maximumf %add3A, %max3A_12 : vector<2528x1xf32>
    %rsqrt3A = math.rsqrt %max3A_13 : vector<2528x1xf32>
    %get3A_14 = arith.constant 0 : index
    %get3A_15 = arith.constant 0 : index
    %get3A_16 = vector.load %arg1[%get3A_14, %get3A_15] : memref<2528x128xf32, #tpu.memory_space<vmem>>, vector<2528x128xf32>
    %get3A_17 = arith.constant 0 : index
    %get3A_18 = arith.constant 0 : index
    %get3A_19 = vector.load %arg2[%get3A_17, %get3A_18] : memref<128x128xf32, #tpu.memory_space<vmem>>, vector<128x128xf32>
    %dot_general3A = arith.constant dense<0.000000e+00> : vector<2528x128xf32>
    %dot_general3A_20 = tpu.matmul %get3A_16, %get3A_19, %dot_general3A {dimension_numbers = #tpu.dot_dimension_numbers<[1], [0], [0], [1], [0, 0, 1, 1], [], []>, transpose_lhs_hint = false} : vector<2528x128xf32>, vector<128x128xf32>, vector<2528x128xf32> -> vector<2528x128xf32>
    %mul3A = vector.broadcast %rsqrt3A : vector<2528x1xf32> to vector<2528x128xf32>
    %mul3A_21 = arith.mulf %dot_general3A_20, %mul3A : vector<2528x128xf32>
    %swap3A = arith.constant 0 : index
    %swap3A_22 = arith.constant 0 : index
    %swap3A_23 = vector.load %arg4[%swap3A, %swap3A_22] : memref<2528x128xf32, #tpu.memory_space<vmem>>, vector<2528x128xf32>
    tpu.vector_store %arg4[%swap3A, %swap3A_22], %mul3A_21 {strides = array<i32>} : memref<2528x128xf32, #tpu.memory_space<vmem>>, vector<2528x128xf32>,
    return
  }
  func.func @transform_0(%arg0: i32) -> (i32, i32) {
    %c0_i32 = arith.constant 0 : i32
    %c0_i32_0 = arith.constant 0 : i32
    return %arg0, %c0_i32 : i32, i32
  }
  func.func @transform_1(%arg0: i32) -> (i32, i32) {
    %c0_i32 = arith.constant 0 : i32
    %c0_i32_0 = arith.constant 0 : i32
    %c0_i32_1 = arith.constant 0 : i32
    return %c0_i32, %c0_i32_0 : i32, i32
  }
  func.func @transform_2(%arg0: i32) -> (i32, i32, i32, i32) {
    %c0_i32 = arith.constant 0 : i32
    %c0_i32_0 = arith.constant 0 : i32
    %c0_i32_1 = arith.constant 0 : i32
    %c0_i32_2 = arith.constant 0 : i32
    return %c0_i32, %c0_i32_0, %arg0, %c0_i32_1 : i32, i32, i32, i32
  }
  func.func @transform_3(%arg0: i32) -> (i32, i32) {
    %c0_i32 = arith.constant 0 : i32
    %c0_i32_0 = arith.constant 0 : i32
    return %arg0, %c0_i32 : i32, i32
  }
}

module attributes {stable_mosaic.version = 14 : i64} {
  func.func @_mm2_body(%arg0: i32, %arg1: memref<2x2528x128xf32, #tpu.memory_space<vmem>>, %arg2: memref<2x2x2528x8xf32, #tpu.memory_space<vmem>>, %arg3: memref<1x128xf32, #tpu.memory_space<vmem>>, %arg4: memref<128x16xf32, #tpu.memory_space<vmem>>, %arg5: memref<2528x16xf32, #tpu.memory_space<vmem>>) attributes {dimension_semantics = [#tpu.dimension_semantics<arbitrary>], iteration_bounds = array<i64: 4>, scalar_prefetch = 0 : i64, scratch_operands = 0 : i64, tpu.core_type = #tpu.core_type<tc>, window_params = [{transform_indices = @transform_0, window_bounds = array<i64: 2, 2528, 128>}, {transform_indices = @transform_1, window_bounds = array<i64: 2, 2, 2528, 8>}, {pipeline_mode = #tpu.pipeline_mode<synchronous>, transform_indices = @transform_2, window_bounds = array<i64: 1, 128>}, {pipeline_mode = #tpu.pipeline_mode<synchronous>, transform_indices = @transform_3, window_bounds = array<i64: 128, 16>}, {transform_indices = @transform_4, window_bounds = array<i64: 2528, 16>}]} {
    %get3A = arith.constant 0 : index
    %get3A_0 = arith.constant 0 : index
    %get3A_1 = arith.constant 0 : index
    %get3A_2 = vector.load %arg1[%get3A, %get3A_0, %get3A_1] : memref<2x2528x128xf32, #tpu.memory_space<vmem>>, vector<1x2528x128xf32>
    %get3A_3 = vector.shape_cast %get3A_2 : vector<1x2528x128xf32> to vector<2528x128xf32>
    %get3A_4 = arith.constant 1 : index
    %get3A_5 = arith.constant 0 : index
    %get3A_6 = arith.constant 0 : index
    %get3A_7 = vector.load %arg1[%get3A_4, %get3A_5, %get3A_6] : memref<2x2528x128xf32, #tpu.memory_space<vmem>>, vector<1x2528x128xf32>
    %get3A_8 = vector.shape_cast %get3A_7 : vector<1x2528x128xf32> to vector<2528x128xf32>
    %add3A = arith.addf %get3A_3, %get3A_8 : vector<2528x128xf32>
    %get3A_9 = arith.constant 0 : index
    %get3A_10 = arith.constant 1 : index
    %get3A_11 = arith.constant 0 : index
    %get3A_12 = arith.constant 0 : index
    %get3A_13 = vector.load %arg2[%get3A_9, %get3A_10, %get3A_11, %get3A_12] : memref<2x2x2528x8xf32, #tpu.memory_space<vmem>>, vector<1x1x2528x8xf32>
    %get3A_14 = vector.shape_cast %get3A_13 : vector<1x1x2528x8xf32> to vector<2528x8xf32>
    %slice3A = vector.extract_strided_slice %get3A_14 {offsets = [0, 0], sizes = [2528, 1], strides = [1, 1]} : vector<2528x8xf32> to vector<2528x1xf32>
    %get3A_15 = arith.constant 1 : index
    %get3A_16 = arith.constant 1 : index
    %get3A_17 = arith.constant 0 : index
    %get3A_18 = arith.constant 0 : index
    %get3A_19 = vector.load %arg2[%get3A_15, %get3A_16, %get3A_17, %get3A_18] : memref<2x2x2528x8xf32, #tpu.memory_space<vmem>>, vector<1x1x2528x8xf32>
    %get3A_20 = vector.shape_cast %get3A_19 : vector<1x1x2528x8xf32> to vector<2528x8xf32>
    %slice3A_21 = vector.extract_strided_slice %get3A_20 {offsets = [0, 0], sizes = [2528, 1], strides = [1, 1]} : vector<2528x8xf32> to vector<2528x1xf32>
    %add3A_22 = arith.addf %slice3A, %slice3A_21 : vector<2528x1xf32>
    %max3A = arith.constant 1.000000e+00 : f32
    %max3A_23 = vector.broadcast %max3A : f32 to vector<2528x1xf32>
    %max3A_24 = arith.maximumf %add3A_22, %max3A_23 : vector<2528x1xf32>
    %rsqrt3A = math.rsqrt %max3A_24 : vector<2528x1xf32>
    %get3A_25 = arith.constant 0 : index
    %get3A_26 = arith.constant 0 : index
    %get3A_27 = arith.constant 0 : index
    %get3A_28 = arith.constant 0 : index
    %get3A_29 = vector.load %arg2[%get3A_25, %get3A_26, %get3A_27, %get3A_28] : memref<2x2x2528x8xf32, #tpu.memory_space<vmem>>, vector<1x1x2528x8xf32>
    %get3A_30 = vector.shape_cast %get3A_29 : vector<1x1x2528x8xf32> to vector<2528x8xf32>
    %slice3A_31 = vector.extract_strided_slice %get3A_30 {offsets = [0, 0], sizes = [2528, 1], strides = [1, 1]} : vector<2528x8xf32> to vector<2528x1xf32>
    %get3A_32 = arith.constant 1 : index
    %get3A_33 = arith.constant 0 : index
    %get3A_34 = arith.constant 0 : index
    %get3A_35 = arith.constant 0 : index
    %get3A_36 = vector.load %arg2[%get3A_32, %get3A_33, %get3A_34, %get3A_35] : memref<2x2x2528x8xf32, #tpu.memory_space<vmem>>, vector<1x1x2528x8xf32>
    %get3A_37 = vector.shape_cast %get3A_36 : vector<1x1x2528x8xf32> to vector<2528x8xf32>
    %slice3A_38 = vector.extract_strided_slice %get3A_37 {offsets = [0, 0], sizes = [2528, 1], strides = [1, 1]} : vector<2528x8xf32> to vector<2528x1xf32>
    %add3A_39 = arith.addf %slice3A_31, %slice3A_38 : vector<2528x1xf32>
    %max3A_40 = arith.constant 1.000000e+00 : f32
    %max3A_41 = vector.broadcast %max3A_40 : f32 to vector<2528x1xf32>
    %max3A_42 = arith.maximumf %add3A_39, %max3A_41 : vector<2528x1xf32>
    %rsqrt3A_43 = math.rsqrt %max3A_42 : vector<2528x1xf32>
    %mul3A = vector.broadcast %rsqrt3A : vector<2528x1xf32> to vector<2528x128xf32>
    %mul3A_44 = arith.mulf %add3A, %mul3A : vector<2528x128xf32>
    %get3A_45 = arith.constant 0 : index
    %get3A_46 = arith.constant 0 : index
    %get3A_47 = vector.load %arg3[%get3A_45, %get3A_46] : memref<1x128xf32, #tpu.memory_space<vmem>>, vector<1x128xf32>
    %add3A_48 = vector.broadcast %get3A_47 : vector<1x128xf32> to vector<2528x128xf32>
    %add3A_49 = arith.addf %mul3A_44, %add3A_48 : vector<2528x128xf32>
    %max3A_50 = arith.constant 0.000000e+00 : f32
    %max3A_51 = vector.broadcast %max3A_50 : f32 to vector<2528x128xf32>
    %max3A_52 = arith.maximumf %add3A_49, %max3A_51 : vector<2528x128xf32>
    %get3A_53 = arith.constant 0 : index
    %get3A_54 = arith.constant 0 : index
    %get3A_55 = vector.load %arg4[%get3A_53, %get3A_54] : memref<128x16xf32, #tpu.memory_space<vmem>>, vector<128x16xf32>
    %dot_general3A = arith.constant dense<0.000000e+00> : vector<2528x16xf32>
    %dot_general3A_56 = tpu.matmul %max3A_52, %get3A_55, %dot_general3A {dimension_numbers = #tpu.dot_dimension_numbers<[1], [0], [0], [1], [0, 0, 1, 1], [], []>, transpose_lhs_hint = false} : vector<2528x128xf32>, vector<128x16xf32>, vector<2528x16xf32> -> vector<2528x16xf32>
    %mul3A_57 = vector.broadcast %rsqrt3A_43 : vector<2528x1xf32> to vector<2528x16xf32>
    %mul3A_58 = arith.mulf %dot_general3A_56, %mul3A_57 : vector<2528x16xf32>
    %iota3A = tpu.iota {dimensions = array<i32: 0>} : vector<2528x1xi32>
    %mul3A_59 = arith.constant 2528 : i32
    %mul3A_60 = arith.muli %arg0, %mul3A_59 : i32
    %add3A_61 = vector.broadcast %mul3A_60 : i32 to vector<2528x1xi32>
    %add3A_62 = arith.addi %iota3A, %add3A_61 : vector<2528x1xi32>
    %lt3A = arith.constant 10000 : i32
    %lt3A_63 = vector.broadcast %lt3A : i32 to vector<2528x1xi32>
    %lt3A_64 = arith.cmpi slt, %add3A_62, %lt3A_63 : vector<2528x1xi32>
    %jit3A = arith.constant 0.000000e+00 : f32
    %broadcast_in_dim3A = vector.shape_cast %lt3A_64 : vector<2528x1xi1> to vector<2528x1xi1>
    %broadcast_in_dim3A_65 = vector.broadcast %broadcast_in_dim3A : vector<2528x1xi1> to vector<2528x16xi1>
    %broadcast_in_dim3A_66 = vector.broadcast %jit3A : f32 to vector<2528x16xf32>
    %select_n3A = arith.select %broadcast_in_dim3A_65, %mul3A_58, %broadcast_in_dim3A_66 : vector<2528x16xi1>, vector<2528x16xf32>
    %swap3A = arith.constant 0 : index
    %swap3A_67 = arith.constant 0 : index
    %swap3A_68 = vector.load %arg5[%swap3A, %swap3A_67] : memref<2528x16xf32, #tpu.memory_space<vmem>>, vector<2528x16xf32>
    tpu.vector_store %arg5[%swap3A, %swap3A_67], %select_n3A {strides = array<i32>} : memref<2528x16xf32, #tpu.memory_space<vmem>>, vector<2528x16xf32>,
    return
  }
  func.func @transform_0(%arg0: i32) -> (i32, i32, i32) {
    %c0_i32 = arith.constant 0 : i32
    %c0_i32_0 = arith.constant 0 : i32
    %c0_i32_1 = arith.constant 0 : i32
    return %c0_i32, %arg0, %c0_i32_0 : i32, i32, i32
  }
  func.func @transform_1(%arg0: i32) -> (i32, i32, i32, i32) {
    %c0_i32 = arith.constant 0 : i32
    %c0_i32_0 = arith.constant 0 : i32
    %c0_i32_1 = arith.constant 0 : i32
    %c0_i32_2 = arith.constant 0 : i32
    return %c0_i32, %c0_i32_0, %arg0, %c0_i32_1 : i32, i32, i32, i32
  }
  func.func @transform_2(%arg0: i32) -> (i32, i32) {
    %c0_i32 = arith.constant 0 : i32
    %c0_i32_0 = arith.constant 0 : i32
    %c0_i32_1 = arith.constant 0 : i32
    return %c0_i32, %c0_i32_0 : i32, i32
  }
  func.func @transform_3(%arg0: i32) -> (i32, i32) {
    %c0_i32 = arith.constant 0 : i32
    %c0_i32_0 = arith.constant 0 : i32
    %c0_i32_1 = arith.constant 0 : i32
    return %c0_i32, %c0_i32_0 : i32, i32
  }
  func.func @transform_4(%arg0: i32) -> (i32, i32) {
    %c0_i32 = arith.constant 0 : i32
    %c0_i32_0 = arith.constant 0 : i32
    return %arg0, %c0_i32 : i32, i32
  }
}

module attributes {stable_mosaic.version = 14 : i64} {
  func.func @_final_body(%arg0: i32, %arg1: memref<2x2528x16xf32, #tpu.memory_space<vmem>>, %arg2: memref<2x2x2528x8xf32, #tpu.memory_space<vmem>>, %arg3: memref<1x16xf32, #tpu.memory_space<vmem>>, %arg4: memref<2528x16xf32, #tpu.memory_space<vmem>>) attributes {dimension_semantics = [#tpu.dimension_semantics<arbitrary>], iteration_bounds = array<i64: 4>, scalar_prefetch = 0 : i64, scratch_operands = 0 : i64, tpu.core_type = #tpu.core_type<tc>, window_params = [{transform_indices = @transform_0, window_bounds = array<i64: 2, 2528, 16>}, {transform_indices = @transform_1, window_bounds = array<i64: 2, 2, 2528, 8>}, {pipeline_mode = #tpu.pipeline_mode<synchronous>, transform_indices = @transform_2, window_bounds = array<i64: 1, 16>}, {transform_indices = @transform_3, window_bounds = array<i64: 2528, 16>}]} {
    %get3A = arith.constant 0 : index
    %get3A_0 = arith.constant 0 : index
    %get3A_1 = arith.constant 0 : index
    %get3A_2 = vector.load %arg1[%get3A, %get3A_0, %get3A_1] : memref<2x2528x16xf32, #tpu.memory_space<vmem>>, vector<1x2528x16xf32>
    %get3A_3 = vector.shape_cast %get3A_2 : vector<1x2528x16xf32> to vector<2528x16xf32>
    %get3A_4 = arith.constant 1 : index
    %get3A_5 = arith.constant 0 : index
    %get3A_6 = arith.constant 0 : index
    %get3A_7 = vector.load %arg1[%get3A_4, %get3A_5, %get3A_6] : memref<2x2528x16xf32, #tpu.memory_space<vmem>>, vector<1x2528x16xf32>
    %get3A_8 = vector.shape_cast %get3A_7 : vector<1x2528x16xf32> to vector<2528x16xf32>
    %add3A = arith.addf %get3A_3, %get3A_8 : vector<2528x16xf32>
    %get3A_9 = arith.constant 0 : index
    %get3A_10 = arith.constant 1 : index
    %get3A_11 = arith.constant 0 : index
    %get3A_12 = arith.constant 0 : index
    %get3A_13 = vector.load %arg2[%get3A_9, %get3A_10, %get3A_11, %get3A_12] : memref<2x2x2528x8xf32, #tpu.memory_space<vmem>>, vector<1x1x2528x8xf32>
    %get3A_14 = vector.shape_cast %get3A_13 : vector<1x1x2528x8xf32> to vector<2528x8xf32>
    %slice3A = vector.extract_strided_slice %get3A_14 {offsets = [0, 0], sizes = [2528, 1], strides = [1, 1]} : vector<2528x8xf32> to vector<2528x1xf32>
    %get3A_15 = arith.constant 1 : index
    %get3A_16 = arith.constant 1 : index
    %get3A_17 = arith.constant 0 : index
    %get3A_18 = arith.constant 0 : index
    %get3A_19 = vector.load %arg2[%get3A_15, %get3A_16, %get3A_17, %get3A_18] : memref<2x2x2528x8xf32, #tpu.memory_space<vmem>>, vector<1x1x2528x8xf32>
    %get3A_20 = vector.shape_cast %get3A_19 : vector<1x1x2528x8xf32> to vector<2528x8xf32>
    %slice3A_21 = vector.extract_strided_slice %get3A_20 {offsets = [0, 0], sizes = [2528, 1], strides = [1, 1]} : vector<2528x8xf32> to vector<2528x1xf32>
    %add3A_22 = arith.addf %slice3A, %slice3A_21 : vector<2528x1xf32>
    %max3A = arith.constant 1.000000e+00 : f32
    %max3A_23 = vector.broadcast %max3A : f32 to vector<2528x1xf32>
    %max3A_24 = arith.maximumf %add3A_22, %max3A_23 : vector<2528x1xf32>
    %rsqrt3A = math.rsqrt %max3A_24 : vector<2528x1xf32>
    %mul3A = vector.broadcast %rsqrt3A : vector<2528x1xf32> to vector<2528x16xf32>
    %mul3A_25 = arith.mulf %add3A, %mul3A : vector<2528x16xf32>
    %get3A_26 = arith.constant 0 : index
    %get3A_27 = arith.constant 0 : index
    %get3A_28 = vector.load %arg3[%get3A_26, %get3A_27] : memref<1x16xf32, #tpu.memory_space<vmem>>, vector<1x16xf32>
    %add3A_29 = vector.broadcast %get3A_28 : vector<1x16xf32> to vector<2528x16xf32>
    %add3A_30 = arith.addf %mul3A_25, %add3A_29 : vector<2528x16xf32>
    %swap3A = arith.constant 0 : index
    %swap3A_31 = arith.constant 0 : index
    %swap3A_32 = vector.load %arg4[%swap3A, %swap3A_31] : memref<2528x16xf32, #tpu.memory_space<vmem>>, vector<2528x16xf32>
    tpu.vector_store %arg4[%swap3A, %swap3A_31], %add3A_30 {strides = array<i32>} : memref<2528x16xf32, #tpu.memory_space<vmem>>, vector<2528x16xf32>,
    return
  }
  func.func @transform_0(%arg0: i32) -> (i32, i32, i32) {
    %c0_i32 = arith.constant 0 : i32
    %c0_i32_0 = arith.constant 0 : i32
    %c0_i32_1 = arith.constant 0 : i32
    return %c0_i32, %arg0, %c0_i32_0 : i32, i32, i32
  }
  func.func @transform_1(%arg0: i32) -> (i32, i32, i32, i32) {
    %c0_i32 = arith.constant 0 : i32
    %c0_i32_0 = arith.constant 0 : i32
    %c0_i32_1 = arith.constant 0 : i32
    %c0_i32_2 = arith.constant 0 : i32
    return %c0_i32, %c0_i32_0, %arg0, %c0_i32_1 : i32, i32, i32, i32
  }
  func.func @transform_2(%arg0: i32) -> (i32, i32) {
    %c0_i32 = arith.constant 0 : i32
    %c0_i32_0 = arith.constant 0 : i32
    %c0_i32_1 = arith.constant 0 : i32
    return %c0_i32, %c0_i32_0 : i32, i32
  }
  func.func @transform_3(%arg0: i32) -> (i32, i32) {
    %c0_i32 = arith.constant 0 : i32
    %c0_i32_0 = arith.constant 0 : i32
    return %arg0, %c0_i32 : i32, i32
  }
}

</mosaic_0001>

<sc_bundles>
// kernel: kernel.11.cloned.1.call-start
scs
__scs_entry_jumppad:
0x0: {  	(pc) =	sbr.rel $0x88, $3  }
0x1: {  	(tag) =	ssettag $0x0;
	lr =	simm.s32 $0x1  }
0x2: {  	[smem:$0x3F9B] =	sst lr;
	_ =	strace $0xD0000000  }
0x3: {  	_ = 	snop  }
0x4: {  	_ = 	snop  }
0x5: {  	_ = 	snop  }
0x6: {  	_ = 	snop  }
0x7: {  	_ = 	snop  }
__scs_overlays_trampoline_lowered:
0x8: {  	[smem:$0x3FAA] =	sst s0  }
0x9: {  	[smem:$0x3FAB] =	sst s1  }
0xa: {  	[smem:$0x3FAC] =	sst s2  }
0xb: {  	[smem:$0x3FAD] =	sst s3  }
0xc: {  	[smem:$0x3FAE] =	sst s4  }
0xd: {  	[smem:$0x3FAF] =	sst s5  }
0xe: {  	[smem:$0x3FB0] =	sst s6  }
0xf: {  	[smem:$0x3FB1] =	sst s7  }
0x10: {  	[smem:$0x3FB2] =	sst s8  }
0x11: {  	[smem:$0x3FB3] =	sst s9;
	s0 =	simm.s32 @!p0 $0x0  }
0x12: {  	s1 =	sld [smem:$0x3F99];
	s0 =	simm.s32 @p0 $0x1  }
0x13: {  	[smem:$0x3FB4] =	sst s0;
	s0 =	simm.s32 @!p1 $0x0  }
0x14: {  	s2 =	sld [smem:$0x3F98];
	s0 =	simm.s32 @p1 $0x1  }
0x15: {  	[smem:$0x3FB5] =	sst s0;
	s0 =	simm.s32 @!p2 $0x0  }
0x16: {  	s3 =	sld [smem:$0x3FDB];
	s0 =	simm.s32 @p2 $0x1  }
0x17: {  	s4 =	simm.s32 $0x1BF5;
	[smem:$0x3FB7] =	sst s0  }
0x18: {  	s0 =	sld [smem:$0x3F9A];
	_ =	swait.ge [sflag:s4], $0x0  }
0x19: {  	s7 =	sld [smem:$0x3F9B]  }
0x1a: {  	s8 =	sadd.s32 $0xFFFFE003, lr  }
0x1b: {  	s9 =	sadd.s32 $0xFFFFFEF7, lr;
	s5 =	simm.s32 $0xFFFFFFFF;
	p2 =	slt.u32 s8, $0xFFFFF086  }
0x1c: {  	p1 =	slt.u32 s9, $0xF7A;
	s5 =	simm.s32 @!p2 $0x0  }
0x1d: {  	s5 =	simm.s32 @p1 $0x1;
	p0 =	seq.s32 s7, s2  }
0x1e: {  	s7 =	smul.u32 @!p0 $0xF7A, s2;
	p2 =	seq.s32 @!p0 s5, $0x0  }
0x1f: {  	s9 =	smul.u32 $0xF7A, s1;
	s8 =	simm.s32 @!p0 $0x1BF5;
	p2 =	por !p2, p0  }
0x20: {  	[sflag:s8] =	ssyncset.s32 @!p0 $0xFFFFF086;
	s6 =	sadd.s32 @!p0 s3, s7;
	s7 =	simm.s32 @!p0 $0x108  }
0x21: {  	s3 =	sadd.s32 s3, s9;
	s6 =	sadd.s32 @!p0 $0x88, s6;
	s7 =	simm.s32 @p2 $0x1082  }
0x22: {  	[simem:s7], [sflag:s8] =	dma.local @!p0 [hbm:s6], $0xF7A  }
0x23: {  	s9 =	sor.u32 $0xD0000000, s2;
	s6 =	simm.s32 $0x108;
	_ =	swait.ge @!p0 [sflag:s8], $0x0  }
0x24: {  	s3 =	sadd.s32 $0x88, s3;
	s6 =	simm.s32 @!p1 $0x1082;
	[sflag:s4] =	ssyncset.s32 $0xFFFFF086  }
0x25: {  	[simem:s6], [sflag:s4] =	dma.local [hbm:s3], $0xF7A  }
0x26: {  	[smem:$0x3F9B] =	sst s1;
	(tag) =	ssettag s2;
	_ =	strace s9  }
0x27: {  	s1 =	sld [smem:$0x3FAB]  }
0x28: {  	s2 =	sld [smem:$0x3FAC]  }
0x29: {  	s4 =	sld [smem:$0x3FAE]  }
0x2a: {  	p0 =	seq.s32 s5, $0x0;
	s5 =	sld [smem:$0x3FAF]  }
0x2b: {  	s6 =	sld [smem:$0x3FB0]  }
0x2c: {  	s7 =	sld [smem:$0x3FB1]  }
0x2d: {  	s3 =	simm.s32 $0x108;
	s8 =	sld [smem:$0x3FB2]  }
0x2e: {  	s3 =	simm.s32 @!p0 $0x1082;
	s9 =	sld [smem:$0x3FB3]  }
0x2f: {  	lr =	sadd.s32 s0, s3;
	s0 =	sld [smem:$0x3FAA]  }
0x30: {  	s3 =	sld [smem:$0x3FAD]  }
0x31: {  	[smem:$0x3FB6] =	sst s10  }
0x32: {  	s10 =	sld [smem:$0x3FB4];
	_ =	sdelay $0x3  }
0x33: {  	p0 =	seq.s32 s10, $0x1;
	s10 =	sld [smem:$0x3FB6];
	_ =	sdelay $0x3  }
0x34: {  	[smem:$0x3FB6] =	sst s10  }
0x35: {  	s10 =	sld [smem:$0x3FB5];
	_ =	sdelay $0x3  }
0x36: {  	p1 =	seq.s32 s10, $0x1;
	s10 =	sld [smem:$0x3FB6];
	_ =	sdelay $0x3  }
0x37: {  	[smem:$0x3FB6] =	sst s10  }
0x38: {  	s10 =	sld [smem:$0x3FB7]  }
0x39: {  	_ = 	snop;
	(pc) =	sbr.ind lr, $3  }
0x3a: {  	_ = 	snop  }
0x3b: {  	_ = 	snop  }
0x3c: {  	p2 =	seq.s32 s10, $0x1;
	s10 =	sld [smem:$0x3FB6]  }
0x3d: {  	_ =	shalt  }
0x3e: {  	_ =	shalt  }
0x3f: {  	_ =	shalt  }
0x40: {  	_ =	shalt  }
0x41: {  	_ =	shalt  }
0x42: {  	_ =	shalt  }
0x43: {  	_ =	shalt  }
0x44: {  	_ =	shalt  }
0x45: {  	_ =	shalt  }
0x46: {  	_ =	shalt  }
0x47: {  	_ =	shalt  }
0x48: {  	_ =	shalt  }
0x49: {  	_ =	shalt  }
0x4a: {  	_ =	shalt  }
0x4b: {  	_ =	shalt  }
0x4c: {  	_ =	shalt  }
0x4d: {  	_ =	shalt  }
0x4e: {  	_ =	shalt  }
0x4f: {  	_ =	shalt  }
0x50: {  	_ =	shalt  }
0x51: {  	_ =	shalt  }
0x52: {  	_ =	shalt  }
0x53: {  	_ =	shalt  }
0x54: {  	_ =	shalt  }
0x55: {  	_ =	shalt  }
0x56: {  	_ =	shalt  }
0x57: {  	_ =	shalt  }
0x58: {  	_ =	shalt  }
0x59: {  	_ =	shalt  }
0x5a: {  	_ =	shalt  }
0x5b: {  	_ =	shalt  }
0x5c: {  	_ =	shalt  }
0x5d: {  	_ =	shalt  }
0x5e: {  	_ =	shalt  }
0x5f: {  	_ =	shalt  }
0x60: {  	_ =	shalt  }
0x61: {  	_ =	shalt  }
0x62: {  	_ =	shalt  }
0x63: {  	_ =	shalt  }
0x64: {  	_ =	shalt  }
0x65: {  	_ =	shalt  }
0x66: {  	_ =	shalt  }
0x67: {  	_ =	shalt  }
0x68: {  	_ =	shalt  }
0x69: {  	_ =	shalt  }
0x6a: {  	_ =	shalt  }
0x6b: {  	_ =	shalt  }
0x6c: {  	_ =	shalt  }
0x6d: {  	_ =	shalt  }
0x6e: {  	_ =	shalt  }
0x6f: {  	_ =	shalt  }
0x70: {  	_ =	shalt  }
0x71: {  	_ =	shalt  }
0x72: {  	_ =	shalt  }
0x73: {  	_ =	shalt  }
0x74: {  	_ =	shalt  }
0x75: {  	_ =	shalt  }
0x76: {  	_ =	shalt  }
0x77: {  	_ =	shalt  }
0x78: {  	_ =	shalt  }
0x79: {  	_ =	shalt  }
0x7a: {  	_ =	shalt  }
0x7b: {  	_ =	shalt  }
0x7c: {  	_ =	shalt  }
0x7d: {  	_ =	shalt  }
0x7e: {  	_ =	shalt  }
0x7f: {  	_ =	shalt  }
0x80: {  	_ =	shalt  }
0x81: {  	_ =	shalt  }
0x82: {  	_ =	shalt  }
0x83: {  	_ =	shalt  }
0x84: {  	_ =	shalt  }
0x85: {  	_ =	shalt  }
0x86: {  	_ =	shalt  }
0x87: {  	_ =	shalt  }
.Lfunc_end0:
.L_simem_size_0:
called_computation.1_lowered:
.L_overlay_start_0:
0x88: {  	s2 =	sld [smem:$0x3FD9]  }
0x89: {  	s3 =	sld [smem:$0x3FFE];
	_ =	sdelay $0x1  }
0x8a: {  	s1 =	srdreg.scid  }
0x8b: {  	s0 =	sand.u32 $0x1, s1  }
0x8c: {  	s17 =	sshll.u32 s0, $0xA;
	s2 =	sadd.s32 s3, s2  }
0x8d: {  	s2 =	sadd.s32 s2, s17  }
0x8e: {  	[smem:$0x3FC2] =	sst s2  }
0x8f: {  	_ = 	snop  }
0x90: {  	s2 =	sld [smem:$0x3FD0];
	(tm) =	ssettm $0x1  }
0x91: {  	s18 =	sld [smem:$0x3FFB];
	_ =	sdelay $0x3  }
0x92: {  	_ =	strace s18  }
0x93: {  	s3 =	sld [smem:$0x3FFC];
	_ =	sdelay $0x3  }
0x94: {  	_ =	strace s3  }
0x95: {  	s3 =	sld [smem:$0x3FFD];
	_ =	sdelay $0x3  }
0x96: {  	_ =	strace s3  }
0x97: {  	_ =	strace $0x8FFFFFFF  }
0x98: {  	s19 =	sld [smem:$0x3FDB];
	_ =	sdelay $0x1  }
0x99: {  	s4 =	simm.s32 $_scs_section_size  }
0x9a: {  	s5 =	simm.s32 $_size__tile_overlayer_lowered;
	s6 =	simm.s32 $_tile_overlayer_lowered  }
0x9b: {  	s22 =	simm.s32 $0x1BFF;
	s21 =	sshll.u32 s6, $0x1;
	s3 =	sadd.s32 s4, s19  }
0x9c: {  	s7 =	simm.s32 $0x0;
	s20 =	sshll.u32 s5, $0x1;
	s5 =	sadd.s32 s21, s3  }
0x9d: {  	[timem:s7], [sflag:s22] =	dma.local [hbm:s5], s20  }
0x9e: {  	_ =	swait.ge [sflag:s22], s20  }
0x9f: {  	s4 =	ssub.s32 $0x0, s20;
	[sflag:s22] =	ssyncset.done $0x0  }
0xa0: {  	[sflag:s22] =	ssyncadd.s32 s4;
	_ =	sdelay $0x1  }
0xa1: {  	s23 =	simm.s32 $0x1B8B  }
0xa2: {  	_ =	swait.ge [sflag:s23], $0x1  }
0xa3: {  	[sflag:s23] =	ssyncset.done $0x0  }
0xa4: {  	s25 =	simm.s32 $0x1B8E;
	s24 =	sld [smem:$0x3FFE];
	[sflag:s23] =	ssyncadd.s32 $0xFFFFFFFF  }
0xa5: {  	s26 =	simm.s32 $execute0_lowered;
	[smem:$0x3FD2] =	sst s25  }
0xa6: {  	s5 =	sshll.u32 s26, $0x1;
	_ =	strace $0x80000049;
	[dreg:$0x1] =	wrdreg $0xFFFFFFFF  }
0xa7: {  	s28 =	simm.s32 $_size_execute0_lowered;
	s3 =	sadd.s32 s3, s5;
	[dreg:$0x0] =	wrdreg $0x0  }
0xa8: {  	s5 =	sshll.u32 s28, $0x1;
	[dreg:$0x2] =	wrdreg s3  }
0xa9: {  	[dreg:$0x3] =	wrdreg s5  }
0xaa: {  	[dreg:$0x4] =	wrdreg $0xC0  }
0xab: {  	_ =	task [dreg:s7], $0x5FFFF  }
0xac: {  	[dreg:$0x1] =	wrdreg $0xFFFFFFFF  }
0xad: {  	[dreg:$0x0] =	wrdreg $0x60  }
0xae: {  	[dreg:$0x2] =	wrdreg s24  }
0xaf: {  	[dreg:$0x3] =	wrdreg s2  }
0xb0: {  	[dreg:$0x4] =	wrdreg $0x90000  }
0xb1: {  	[dreg:$0x5] =	wrdreg $0x9  }
0xb2: {  	_ =	task.clear_ibuf [dreg:s7], $0x6FFFF;
	_ =	strace $0x90000049  }
0xb3: {  	s29 =	simm.s32 $0x9;
	_ =	strace $0x8000004B  }
0xb4: {  	_ =	swait.ge [sflag:s29], $0x1  }
0xb5: {  	[sflag:s29] =	ssyncadd.s32 $0xFFFFFFFF  }
0xb6: {  	_ =	strace $0x9000004B  }
0xb7: {  	_ =	sfence  }
0xb8: {  	s30 =	sld [smem:$0x0];
	_ =	sdelay $0x2  }
0xb9: {  	s31 =	sshll.u32 s1, $0xD;
	s1 =	sshrl.u32 s1, $0x2  }
0xba: {  	s3 =	sand.u32 $0x4000, s31;
	s1 =	sadd.s32 s1, s30  }
0xbb: {  	s0 =	sor.u32 s3, s0;
	s1 =	sshll.u32 s1, $0x11  }
0xbc: {  	s0 =	sor.u32 s1, s0  }
0xbd: {  	s0 =	sadd.s32 $0x8F2B, s0  }
0xbe: {  	[sflag:s0] =	ssyncadd.remote.s32 $0x1  }
0xbf: {  	_ =	sfence.sel $0xFFFF  }
0xc0: {  	[dreg:$0x0] =	wrdreg $0xFFFFFFFF;
	(pc) =	sbr.abs _section_cstart, $3  }
0xc1: {  	[dreg:$0x1] =	wrdreg $0xFFFFFFFF  }
0xc2: {  	_ =	task.clear_ibuf [dreg:s7], $0x2FFFF;
	_ =	strace $0x9FFFFFFF  }
0xc3: {  	(tm) =	ssettm $0x7FFFFFFF  }
tec
execute0_lowered:
.L_overlay_start_1:
0x0: {  	(tag) =	ssettag $0x1  }
0x1: {  	s6 =	rddreg [dreg:$0x0]  }
0x2: {  	s1 =	rddreg [dreg:$0x1]  }
0x3: {  	s2 =	rddreg [dreg:$0x2]  }
0x4: {  	s3 =	srdreg.scid;
	s0 =	rddreg [dreg:$0x3];
	s4 =	simm.s32 $0x0  }
0x5: {  	s14 =	simm.s32 $0x80;
	s15 =	simm.s32 $0x5000;
	s7 =	sand.u32 $0x1, s3  }
0x6: {  	s16 =	simm.s32 $0x1;
	s3 =	stileid.u32;
	s8 =	smul.u32 $0x13C000, s7  }
0x7: {  	s17 =	simm.s32 $0x0;
	[smem:$0x7FF] =	sst s4;
	s9 =	smul.u32 $0x13C00, s3  }
0x8: {  	s5 =	sshll.u32 s7, $0x4;
	_ =	strace $0x8000004A;
	s28 =	smul.u32 $0x4F000, s3  }
0x9: {  	s7 =	ssub.s32 $0x2, s7;
	s31 =	sshll.u32 s3, $0x6;
	s5 =	sor.u32 s3, s5  }
0xa: {  	s29 =	sshrl.u32 s7, $0x1;
	s10 =	smul.u32 $0x500, s5;
	s5 =	sadd.s32 $0xD1C00, s6  }
0xb: {  	s8 =	sadd.s32 s9, s8;
	s30 =	sshrl.u32 s28, $0x2;
	s12 =	ssub.s32 s7, s29  }
0xc: {  	s8 =	sshrl.u32 s8, $0x3;
	s13 =	sadd.s32 s30, s2;
	s10 =	sadd.s32 s10, s6  }
0xd: {  	s11 =	sadd.s32 s8, s6;
	s6 =	sor.u32 $0x1C02, s31;
	s7 =	sadd.s32 $0x1FC00, s10  }
0xe: {  	s8 =	sadd.s32 $0x29C00, s10;
	s9 =	sadd.s32 $0xF9400, s11;
	s10 =	smax.u32 s12, $0x1  }
0xf: {  	s11 =	sshrl.u32 s13, $0x3;
	s12 =	simm.s32 $0x2;
	s13 =	simm.s32 $0x2800  }
.LBB2_1:
0x10: {  	[spmem:s11], [sflag:s6] =	dma.local [hbm:s1], $0x2780  }
0x11: {  	_ =	swait.ge [sflag:s12], $0x2780  }
0x12: {  	[sflag:s12] =	ssyncset.done $0x0  }
0x13: {  	[sflag:s12] =	ssyncadd.s32 $0xFFFFD880  }
0x14: {  	[bflag:$0x0] =	sbarrier.arrive $0xFFFF  }
0x15: {  	[tilespmem:s4], [sflag:$0x2] =	stream.linear.gather [hbm4b:s7+s4], $0x2800, $0x38;
	[tilespmem:$0x1CC00] =	vst v63  }
0x16: {  	_ =	swait.ge [sflag:s12], $0x2800  }
0x17: {  	[sflag:s12] =	ssyncset.done $0x0  }
0x18: {  	[sflag:s12] =	ssyncadd.s32 $0xFFFFD800  }
0x19: {  	[tilespmem:s13], [sflag:$0x2] =	stream.linear.gather [hbm4b:s8+s4], $0x2800, $0x38;
	[tilespmem:$0x1CC00] =	vst v63  }
0x1a: {  	_ =	swait.ge [sflag:s12], $0x2800  }
0x1b: {  	[sflag:s12] =	ssyncset.done $0x0  }
0x1c: {  	s18 =	simm.s32 $0x0;
	[sflag:s12] =	ssyncadd.s32 $0xFFFFD800  }
0x1d: {  	[tilespmem:s15], [sflag:$0x1] =	stream.indirect.gather [hbm4b:s5+s14], $0x80, s18, s14, $0xb8;
	[tilespmem:$0x1CC00] =	vst v63  }
0x1e: {  	_ =	swait.ge [sflag:s16], $0x4000  }
0x1f: {  	[sflag:s16] =	ssyncset.done $0x0  }
0x20: {  	s31 =	simm.s32 $0x2800;
	[sflag:s16] =	ssyncadd.s32 $0xFFFFC000  }
0x21: {  	[spmem:s2] =	stream.indirect.scatter.add.f32 [tilespmem:s15], [sflag:$0x2], $0x80, s31, s14, $0xb8;
	[tilespmem:$0x1CC00] =	vst v63  }
0x22: {  	_ =	swait.ge [sflag:s12], $0x4000  }
0x23: {  	s19 =	simm.s32 $0x400;
	s18 =	simm.s32 $0x200;
	[sflag:s12] =	ssyncset.done $0x0  }
.LBB2_2:
0x24: {  	s20 =	sshra.s32 s18, $0x2  }
0x25: {  	[sflag:s12] =	ssyncadd.s32 $0xFFFFC000;
	s18 =	smov.u32 s19;
	s21 =	sadd.s32 $0x200, s19  }
0x26: {  	[tilespmem:s15], [sflag:$0x1] =	stream.indirect.gather [hbm4b:s5+s14], $0x80, s20, s14, $0xb8;
	[tilespmem:$0x1CC00] =	vst v63  }
0x27: {  	p0 =	sne.s32 s19, $0x9E00;
	_ =	swait.ge [sflag:s16], $0x4000  }
.Ltmp0:
0x28: {  	[sflag:s16] =	ssyncset.done $0x0;
	(pc) =	sbr.rel @p0 .LBB2_2-.Ltmp0, $4  }
0x29: {  	s19 =	sadd.s32 $0x2800, s20;
	[sflag:s16] =	ssyncadd.s32 $0xFFFFC000  }
0x2a: {  	[spmem:s2] =	stream.indirect.scatter.add.f32 [tilespmem:s15], [sflag:$0x2], $0x80, s19, s14, $0xb8;
	[tilespmem:$0x1CC00] =	vst v63  }
0x2b: {  	_ =	swait.ge [sflag:s12], $0x4000  }
0x2c: {  	s19 =	smov.u32 s21;
	[sflag:s12] =	ssyncset.done $0x0  }
0x2d: {  	s18 =	sshra.s32 s18, $0x2;
	[sflag:s12] =	ssyncadd.s32 $0xFFFFC000  }
0x2e: {  	[tilespmem:s15], [sflag:$0x1] =	stream.indirect.gather [hbm4b:s5+s14], $0x80, s18, s14, $0xb8;
	[tilespmem:$0x1CC00] =	vst v63  }
0x2f: {  	_ =	swait.ge [sflag:s16], $0x4000  }
0x30: {  	[sflag:s16] =	ssyncset.done $0x0  }
0x31: {  	s18 =	sadd.s32 $0x2800, s18;
	[sflag:s16] =	ssyncadd.s32 $0xFFFFC000  }
0x32: {  	[spmem:s2] =	stream.indirect.scatter.add.f32 [tilespmem:s15], [sflag:$0x2], $0x80, s18, s14, $0xb8;
	[tilespmem:$0x1CC00] =	vst v63  }
0x33: {  	_ =	swait.ge [sflag:s12], $0x4000  }
0x34: {  	s17 =	sadd.s32 $0x1, s17;
	[sflag:s12] =	ssyncset.done $0x0  }
0x35: {  	p0 =	sne.s32 s17, s10;
	[sflag:s12] =	ssyncadd.s32 $0xFFFFC000  }
.Ltmp1:
0x36: {  	[bflag:$0x0] =	sbarrier.arrive $0xFFFF;
	(pc) =	sbr.rel @p0 .LBB2_1-.Ltmp1, $4  }
0x37: {  	[hbm:s9], [sflag:s6] =	dma.local [spmem:s11], $0x2780  }
0x38: {  	_ =	swait.ge [sflag:s12], $0x2780  }
0x39: {  	[sflag:s12] =	ssyncset.done $0x0  }
0x3a: {  	[sflag:s12] =	ssyncadd.s32 $0xFFFFD880  }
0x3b: {  	_ =	sfence.sel $0x180000  }
0x3c: {  	[bflag:$0x0] =	sbarrier.arrive $0xFFFF  }
0x3d: {  	p0 =	sne.s32 s3, $0x0;
	_ =	strace $0x9000004A  }
0x3e: {  	s0 =	sadd.s32 @!p0 $0x100000, s0;
	[bflag:$0x2] =	sbarrier.arrive $0xFFFF  }
0x3f: {  	[sflag:s0] =	ssyncadd.tile.s32 @!p0 $0x1;
	_ =	shalt  }
.Lfunc_end2:
_tile_overlayer_lowered:
.L_overlay_start_2:
0x40: {  	(tag) =	ssettag $0x2  }
0x41: {  	s0 =	rddreg [dreg:$0x0];
	s2 =	stileid.u32  }
0x42: {  	s1 =	rddreg [dreg:$0x1];
	p0 =	sne.s32 s2, $0x0  }
0x43: {  	s3 =	rddreg [dreg:$0x2];
	[bflag:$0x3] =	sbarrier.arrive $0xFFFF;
	s2 =	simm.s32 @!p0 $0x1C02  }
0x44: {  	[timem:s3], [sflag:s2] =	dma.local @!p0 [hbm:s0], s1  }
0x45: {  	s0 =	simm.s32 @!p0 $0x2  }
0x46: {  	_ =	swait.ge @!p0 [sflag:s0], s1  }
0x47: {  	s1 =	ssub.s32 @!p0 $0x0, s1;
	[sflag:s0] =	ssyncset.done @!p0 $0x0  }
0x48: {  	[sflag:s0] =	ssyncadd.s32 @!p0 s1  }
0x49: {  	[bflag:$0x3] =	sbarrier.arrive $0xFFFF  }
0x4a: {  	_ =	shalt  }

// kernel: kernel.14.cloned.1.call-start
scs
__scs_entry_jumppad:
0x0: {  	(pc) =	sbr.rel $0x88, $3  }
0x1: {  	(tag) =	ssettag $0x0;
	lr =	simm.s32 $0x1  }
0x2: {  	[smem:$0x3F9B] =	sst lr;
	_ =	strace $0xD0000000  }
0x3: {  	_ = 	snop  }
0x4: {  	_ = 	snop  }
0x5: {  	_ = 	snop  }
0x6: {  	_ = 	snop  }
0x7: {  	_ = 	snop  }
__scs_overlays_trampoline_lowered:
0x8: {  	[smem:$0x3FAA] =	sst s0  }
0x9: {  	[smem:$0x3FAB] =	sst s1  }
0xa: {  	[smem:$0x3FAC] =	sst s2  }
0xb: {  	[smem:$0x3FAD] =	sst s3  }
0xc: {  	[smem:$0x3FAE] =	sst s4  }
0xd: {  	[smem:$0x3FAF] =	sst s5  }
0xe: {  	[smem:$0x3FB0] =	sst s6  }
0xf: {  	[smem:$0x3FB1] =	sst s7  }
0x10: {  	[smem:$0x3FB2] =	sst s8  }
0x11: {  	[smem:$0x3FB3] =	sst s9;
	s0 =	simm.s32 @!p0 $0x0  }
0x12: {  	s1 =	sld [smem:$0x3F99];
	s0 =	simm.s32 @p0 $0x1  }
0x13: {  	[smem:$0x3FB4] =	sst s0;
	s0 =	simm.s32 @!p1 $0x0  }
0x14: {  	s2 =	sld [smem:$0x3F98];
	s0 =	simm.s32 @p1 $0x1  }
0x15: {  	[smem:$0x3FB5] =	sst s0;
	s0 =	simm.s32 @!p2 $0x0  }
0x16: {  	s3 =	sld [smem:$0x3FDB];
	s0 =	simm.s32 @p2 $0x1  }
0x17: {  	s4 =	simm.s32 $0x1BF5;
	[smem:$0x3FB7] =	sst s0  }
0x18: {  	s0 =	sld [smem:$0x3F9A];
	_ =	swait.ge [sflag:s4], $0x0  }
0x19: {  	s7 =	sld [smem:$0x3F9B]  }
0x1a: {  	s8 =	sadd.s32 $0xFFFFE003, lr  }
0x1b: {  	s9 =	sadd.s32 $0xFFFFFEF7, lr;
	s5 =	simm.s32 $0xFFFFFFFF;
	p2 =	slt.u32 s8, $0xFFFFF086  }
0x1c: {  	p1 =	slt.u32 s9, $0xF7A;
	s5 =	simm.s32 @!p2 $0x0  }
0x1d: {  	s5 =	simm.s32 @p1 $0x1;
	p0 =	seq.s32 s7, s2  }
0x1e: {  	s7 =	smul.u32 @!p0 $0xF7A, s2;
	p2 =	seq.s32 @!p0 s5, $0x0  }
0x1f: {  	s9 =	smul.u32 $0xF7A, s1;
	s8 =	simm.s32 @!p0 $0x1BF5;
	p2 =	por !p2, p0  }
0x20: {  	[sflag:s8] =	ssyncset.s32 @!p0 $0xFFFFF086;
	s6 =	sadd.s32 @!p0 s3, s7;
	s7 =	simm.s32 @!p0 $0x108  }
0x21: {  	s3 =	sadd.s32 s3, s9;
	s6 =	sadd.s32 @!p0 $0x88, s6;
	s7 =	simm.s32 @p2 $0x1082  }
0x22: {  	[simem:s7], [sflag:s8] =	dma.local @!p0 [hbm:s6], $0xF7A  }
0x23: {  	s9 =	sor.u32 $0xD0000000, s2;
	s6 =	simm.s32 $0x108;
	_ =	swait.ge @!p0 [sflag:s8], $0x0  }
0x24: {  	s3 =	sadd.s32 $0x88, s3;
	s6 =	simm.s32 @!p1 $0x1082;
	[sflag:s4] =	ssyncset.s32 $0xFFFFF086  }
0x25: {  	[simem:s6], [sflag:s4] =	dma.local [hbm:s3], $0xF7A  }
0x26: {  	[smem:$0x3F9B] =	sst s1;
	(tag) =	ssettag s2;
	_ =	strace s9  }
0x27: {  	s1 =	sld [smem:$0x3FAB]  }
0x28: {  	s2 =	sld [smem:$0x3FAC]  }
0x29: {  	s4 =	sld [smem:$0x3FAE]  }
0x2a: {  	p0 =	seq.s32 s5, $0x0;
	s5 =	sld [smem:$0x3FAF]  }
0x2b: {  	s6 =	sld [smem:$0x3FB0]  }
0x2c: {  	s7 =	sld [smem:$0x3FB1]  }
0x2d: {  	s3 =	simm.s32 $0x108;
	s8 =	sld [smem:$0x3FB2]  }
0x2e: {  	s3 =	simm.s32 @!p0 $0x1082;
	s9 =	sld [smem:$0x3FB3]  }
0x2f: {  	lr =	sadd.s32 s0, s3;
	s0 =	sld [smem:$0x3FAA]  }
0x30: {  	s3 =	sld [smem:$0x3FAD]  }
0x31: {  	[smem:$0x3FB6] =	sst s10  }
0x32: {  	s10 =	sld [smem:$0x3FB4];
	_ =	sdelay $0x3  }
0x33: {  	p0 =	seq.s32 s10, $0x1;
	s10 =	sld [smem:$0x3FB6];
	_ =	sdelay $0x3  }
0x34: {  	[smem:$0x3FB6] =	sst s10  }
0x35: {  	s10 =	sld [smem:$0x3FB5];
	_ =	sdelay $0x3  }
0x36: {  	p1 =	seq.s32 s10, $0x1;
	s10 =	sld [smem:$0x3FB6];
	_ =	sdelay $0x3  }
0x37: {  	[smem:$0x3FB6] =	sst s10  }
0x38: {  	s10 =	sld [smem:$0x3FB7]  }
0x39: {  	_ = 	snop;
	(pc) =	sbr.ind lr, $3  }
0x3a: {  	_ = 	snop  }
0x3b: {  	_ = 	snop  }
0x3c: {  	p2 =	seq.s32 s10, $0x1;
	s10 =	sld [smem:$0x3FB6]  }
0x3d: {  	_ =	shalt  }
0x3e: {  	_ =	shalt  }
0x3f: {  	_ =	shalt  }
0x40: {  	_ =	shalt  }
0x41: {  	_ =	shalt  }
0x42: {  	_ =	shalt  }
0x43: {  	_ =	shalt  }
0x44: {  	_ =	shalt  }
0x45: {  	_ =	shalt  }
0x46: {  	_ =	shalt  }
0x47: {  	_ =	shalt  }
0x48: {  	_ =	shalt  }
0x49: {  	_ =	shalt  }
0x4a: {  	_ =	shalt  }
0x4b: {  	_ =	shalt  }
0x4c: {  	_ =	shalt  }
0x4d: {  	_ =	shalt  }
0x4e: {  	_ =	shalt  }
0x4f: {  	_ =	shalt  }
0x50: {  	_ =	shalt  }
0x51: {  	_ =	shalt  }
0x52: {  	_ =	shalt  }
0x53: {  	_ =	shalt  }
0x54: {  	_ =	shalt  }
0x55: {  	_ =	shalt  }
0x56: {  	_ =	shalt  }
0x57: {  	_ =	shalt  }
0x58: {  	_ =	shalt  }
0x59: {  	_ =	shalt  }
0x5a: {  	_ =	shalt  }
0x5b: {  	_ =	shalt  }
0x5c: {  	_ =	shalt  }
0x5d: {  	_ =	shalt  }
0x5e: {  	_ =	shalt  }
0x5f: {  	_ =	shalt  }
0x60: {  	_ =	shalt  }
0x61: {  	_ =	shalt  }
0x62: {  	_ =	shalt  }
0x63: {  	_ =	shalt  }
0x64: {  	_ =	shalt  }
0x65: {  	_ =	shalt  }
0x66: {  	_ =	shalt  }
0x67: {  	_ =	shalt  }
0x68: {  	_ =	shalt  }
0x69: {  	_ =	shalt  }
0x6a: {  	_ =	shalt  }
0x6b: {  	_ =	shalt  }
0x6c: {  	_ =	shalt  }
0x6d: {  	_ =	shalt  }
0x6e: {  	_ =	shalt  }
0x6f: {  	_ =	shalt  }
0x70: {  	_ =	shalt  }
0x71: {  	_ =	shalt  }
0x72: {  	_ =	shalt  }
0x73: {  	_ =	shalt  }
0x74: {  	_ =	shalt  }
0x75: {  	_ =	shalt  }
0x76: {  	_ =	shalt  }
0x77: {  	_ =	shalt  }
0x78: {  	_ =	shalt  }
0x79: {  	_ =	shalt  }
0x7a: {  	_ =	shalt  }
0x7b: {  	_ =	shalt  }
0x7c: {  	_ =	shalt  }
0x7d: {  	_ =	shalt  }
0x7e: {  	_ =	shalt  }
0x7f: {  	_ =	shalt  }
0x80: {  	_ =	shalt  }
0x81: {  	_ =	shalt  }
0x82: {  	_ =	shalt  }
0x83: {  	_ =	shalt  }
0x84: {  	_ =	shalt  }
0x85: {  	_ =	shalt  }
0x86: {  	_ =	shalt  }
0x87: {  	_ =	shalt  }
.Lfunc_end0:
.L_simem_size_0:
called_computation.2_lowered:
.L_overlay_start_0:
0x88: {  	s2 =	sld [smem:$0x3FD9]  }
0x89: {  	s3 =	sld [smem:$0x3FFE];
	_ =	sdelay $0x1  }
0x8a: {  	s1 =	srdreg.scid  }
0x8b: {  	s0 =	sand.u32 $0x1, s1  }
0x8c: {  	s17 =	sshll.u32 s0, $0xA;
	s2 =	sadd.s32 s3, s2  }
0x8d: {  	s2 =	sadd.s32 s2, s17  }
0x8e: {  	[smem:$0x3FC2] =	sst s2  }
0x8f: {  	_ = 	snop  }
0x90: {  	s2 =	sld [smem:$0x3FD0];
	(tm) =	ssettm $0x1  }
0x91: {  	s18 =	sld [smem:$0x3FFB];
	_ =	sdelay $0x3  }
0x92: {  	_ =	strace s18  }
0x93: {  	s3 =	sld [smem:$0x3FFC];
	_ =	sdelay $0x3  }
0x94: {  	_ =	strace s3  }
0x95: {  	s3 =	sld [smem:$0x3FFD];
	_ =	sdelay $0x3  }
0x96: {  	_ =	strace s3  }
0x97: {  	_ =	strace $0x8FFFFFFF  }
0x98: {  	s19 =	sld [smem:$0x3FDB];
	_ =	sdelay $0x1  }
0x99: {  	s4 =	simm.s32 $_scs_section_size  }
0x9a: {  	s5 =	simm.s32 $_size__tile_overlayer_lowered;
	s6 =	simm.s32 $_tile_overlayer_lowered  }
0x9b: {  	s22 =	simm.s32 $0x1BFF;
	s21 =	sshll.u32 s6, $0x1;
	s3 =	sadd.s32 s4, s19  }
0x9c: {  	s7 =	simm.s32 $0x0;
	s20 =	sshll.u32 s5, $0x1;
	s5 =	sadd.s32 s21, s3  }
0x9d: {  	[timem:s7], [sflag:s22] =	dma.local [hbm:s5], s20  }
0x9e: {  	_ =	swait.ge [sflag:s22], s20  }
0x9f: {  	s4 =	ssub.s32 $0x0, s20;
	[sflag:s22] =	ssyncset.done $0x0  }
0xa0: {  	[sflag:s22] =	ssyncadd.s32 s4;
	_ =	sdelay $0x1  }
0xa1: {  	s23 =	simm.s32 $0x1B8B  }
0xa2: {  	_ =	swait.ge [sflag:s23], $0x1  }
0xa3: {  	[sflag:s23] =	ssyncset.done $0x0  }
0xa4: {  	s25 =	simm.s32 $0x1B8E;
	s24 =	sld [smem:$0x3FFE];
	[sflag:s23] =	ssyncadd.s32 $0xFFFFFFFF  }
0xa5: {  	s26 =	simm.s32 $execute0_lowered;
	[smem:$0x3FD2] =	sst s25  }
0xa6: {  	s5 =	sshll.u32 s26, $0x1;
	_ =	strace $0x8000004C;
	[dreg:$0x1] =	wrdreg $0xFFFFFFFF  }
0xa7: {  	s28 =	simm.s32 $_size_execute0_lowered;
	s3 =	sadd.s32 s3, s5;
	[dreg:$0x0] =	wrdreg $0x0  }
0xa8: {  	s5 =	sshll.u32 s28, $0x1;
	[dreg:$0x2] =	wrdreg s3  }
0xa9: {  	[dreg:$0x3] =	wrdreg s5  }
0xaa: {  	[dreg:$0x4] =	wrdreg $0xC0  }
0xab: {  	_ =	task [dreg:s7], $0x5FFFF  }
0xac: {  	[dreg:$0x1] =	wrdreg $0xFFFFFFFF  }
0xad: {  	[dreg:$0x0] =	wrdreg $0x60  }
0xae: {  	[dreg:$0x2] =	wrdreg s2  }
0xaf: {  	[dreg:$0x3] =	wrdreg s24  }
0xb0: {  	[dreg:$0x4] =	wrdreg $0x60000  }
0xb1: {  	[dreg:$0x5] =	wrdreg $0x9  }
0xb2: {  	_ =	task.clear_ibuf [dreg:s7], $0x6FFFF;
	_ =	strace $0x9000004C  }
0xb3: {  	s29 =	simm.s32 $0x9;
	_ =	strace $0x8000004E  }
0xb4: {  	_ =	swait.ge [sflag:s29], $0x1  }
0xb5: {  	[sflag:s29] =	ssyncadd.s32 $0xFFFFFFFF  }
0xb6: {  	_ =	strace $0x9000004E  }
0xb7: {  	_ =	sfence  }
0xb8: {  	s30 =	sld [smem:$0x0];
	_ =	sdelay $0x2  }
0xb9: {  	s31 =	sshll.u32 s1, $0xD;
	s1 =	sshrl.u32 s1, $0x2  }
0xba: {  	s3 =	sand.u32 $0x4000, s31;
	s1 =	sadd.s32 s1, s30  }
0xbb: {  	s0 =	sor.u32 s3, s0;
	s1 =	sshll.u32 s1, $0x11  }
0xbc: {  	s0 =	sor.u32 s1, s0  }
0xbd: {  	s0 =	sadd.s32 $0x8F2B, s0  }
0xbe: {  	[sflag:s0] =	ssyncadd.remote.s32 $0x1  }
0xbf: {  	_ =	sfence.sel $0xFFFF  }
0xc0: {  	[dreg:$0x0] =	wrdreg $0xFFFFFFFF;
	(pc) =	sbr.abs _section_cstart, $3  }
0xc1: {  	[dreg:$0x1] =	wrdreg $0xFFFFFFFF  }
0xc2: {  	_ =	task.clear_ibuf [dreg:s7], $0x2FFFF;
	_ =	strace $0x9FFFFFFF  }
0xc3: {  	(tm) =	ssettm $0x7FFFFFFF  }
tec
execute0_lowered:
.L_overlay_start_1:
0x0: {  	(tag) =	ssettag $0x1  }
0x1: {  	s2 =	rddreg [dreg:$0x0]  }
0x2: {  	s7 =	rddreg [dreg:$0x1]  }
0x3: {  	s0 =	srdreg.scid;
	s3 =	rddreg [dreg:$0x2];
	s4 =	simm.s32 $0x0  }
0x4: {  	s14 =	simm.s32 $0x80;
	s15 =	simm.s32 $0x5000;
	s16 =	simm.s32 $0x5800  }
0x5: {  	s17 =	simm.s32 $0x1;
	s18 =	simm.s32 $0x2;
	s19 =	simm.s32 $0x4F00  }
0x6: {  	s20 =	simm.s32 $0x4F80;
	s6 =	sand.u32 $0x1, s0;
	s0 =	stileid.u32  }
0x7: {  	s21 =	simm.s32 $0x0;
	[smem:$0x7FF] =	sst s4;
	s8 =	smul.u32 $0x2780, s0  }
0x8: {  	s1 =	sshll.u32 s6, $0x4;
	s9 =	smul.u32 $0x27800, s6;
	s6 =	ssub.s32 $0x2, s6  }
0x9: {  	s11 =	sshll.u32 s0, $0x6;
	s1 =	sor.u32 s0, s1;
	s31 =	sshrl.u32 s6, $0x1  }
0xa: {  	s5 =	smul.u32 $0x500, s1;
	s1 =	rddreg [dreg:$0x3];
	_ =	strace $0x8000004D  }
0xb: {  	s9 =	sadd.s32 s8, s9;
	s12 =	ssub.s32 s6, s31;
	s13 =	sadd.s32 s8, s3  }
0xc: {  	s6 =	sor.u32 $0x1C03, s11;
	s9 =	sshrl.u32 s9, $0x3;
	s11 =	sshrl.u32 s13, $0x3  }
0xd: {  	s13 =	simm.s32 $0x2800;
	s10 =	sadd.s32 s5, s7;
	s5 =	sadd.s32 $0x15C00, s7  }
0xe: {  	s9 =	sadd.s32 s9, s7;
	s7 =	sadd.s32 $0xBC00, s10;
	s8 =	sadd.s32 $0x1C00, s10  }
0xf: {  	s9 =	sadd.s32 $0x16200, s9;
	s10 =	smax.u32 s12, $0x1;
	s12 =	simm.s32 $0x3  }
.LBB2_1:
0x10: {  	[spmem:s11], [sflag:s6] =	dma.local [hbm:s5], $0x4F0  }
0x11: {  	_ =	swait.ge [sflag:s12], $0x4F0  }
0x12: {  	[sflag:s12] =	ssyncset.done $0x0  }
0x13: {  	[sflag:s12] =	ssyncadd.s32 $0xFFFFFB10  }
0x14: {  	[bflag:$0x0] =	sbarrier.arrive $0xFFFF  }
0x15: {  	[tilespmem:s4], [sflag:$0x3] =	stream.linear.gather [hbm4b:s7+s4], $0x2800, $0x38;
	[tilespmem:$0x8780] =	vst v63  }
0x16: {  	_ =	swait.ge [sflag:s12], $0x2800  }
0x17: {  	[sflag:s12] =	ssyncset.done $0x0  }
0x18: {  	[sflag:s12] =	ssyncadd.s32 $0xFFFFD800  }
0x19: {  	[tilespmem:s13], [sflag:$0x3] =	stream.linear.gather [hbm4b:s8+s4], $0x2800, $0x38;
	[tilespmem:$0x8780] =	vst v63  }
0x1a: {  	_ =	swait.ge [sflag:s12], $0x2800  }
0x1b: {  	[sflag:s12] =	ssyncset.done $0x0  }
0x1c: {  	[sflag:s12] =	ssyncadd.s32 $0xFFFFD800  }
0x1d: {  	[tilespmem:s15], [sflag:$0x1] =	stream.indirect.gather [hbm4b:s2+s14], $0x10, s4, s14, $0xb8;
	[tilespmem:$0x8780] =	vst v63  }
0x1e: {  	_ = 	snop  }
0x1f: {  	[tilespmem:s16], [sflag:$0x2] =	stream.indirect.gather [hbm4b:s2+s14], $0x10, s14, s14, $0xb8;
	[tilespmem:$0x8780] =	vst v63  }
0x20: {  	_ =	swait.ge [sflag:s17], $0x800  }
0x21: {  	[sflag:s17] =	ssyncset.done $0x0  }
0x22: {  	s22 =	simm.s32 $0x2800;
	[sflag:s17] =	ssyncadd.s32 $0xFFFFF800  }
0x23: {  	[spmem:s3] =	stream.indirect.scatter.add.f32 [tilespmem:s15], [sflag:$0x3], $0x10, s22, s14, $0xb8;
	[tilespmem:$0x8780] =	vst v63  }
0x24: {  	_ =	swait.ge [sflag:s12], $0x800  }
0x25: {  	[sflag:s12] =	ssyncset.done $0x0  }
0x26: {  	s30 =	simm.s32 $0x100;
	[sflag:s12] =	ssyncadd.s32 $0xFFFFF800  }
0x27: {  	[tilespmem:s15], [sflag:$0x1] =	stream.indirect.gather [hbm4b:s2+s14], $0x10, s30, s14, $0xb8;
	[tilespmem:$0x8780] =	vst v63  }
0x28: {  	_ =	swait.ge [sflag:s18], $0x800  }
0x29: {  	[sflag:s18] =	ssyncset.done $0x0  }
0x2a: {  	s31 =	simm.s32 $0x2880;
	[sflag:s18] =	ssyncadd.s32 $0xFFFFF800  }
0x2b: {  	[spmem:s3] =	stream.indirect.scatter.add.f32 [tilespmem:s16], [sflag:$0x3], $0x10, s31, s14, $0xb8;
	[tilespmem:$0x8780] =	vst v63  }
0x2c: {  	_ =	swait.ge [sflag:s12], $0x800  }
0x2d: {  	[sflag:s12] =	ssyncset.done $0x0  }
0x2e: {  	s23 =	simm.s32 $0x180;
	s22 =	simm.s32 $0x400;
	[sflag:s12] =	ssyncadd.s32 $0xFFFFF800  }
.LBB2_2:
0x2f: {  	[tilespmem:s16], [sflag:$0x2] =	stream.indirect.gather [hbm4b:s2+s14], $0x10, s23, s14, $0xb8;
	[tilespmem:$0x8780] =	vst v63  }
0x30: {  	s23 =	smov.u32 s22  }
0x31: {  	p0 =	sne.s32 s22, $0x9800;
	s22 =	sadd.s32 $0x400, s22;
	_ =	swait.ge [sflag:s17], $0x800  }
0x32: {  	s23 =	sshra.s32 s23, $0x2;
	[sflag:s17] =	ssyncset.done $0x0  }
0x33: {  	s24 =	sadd.s32 $0x2800, s23;
	[sflag:s17] =	ssyncadd.s32 $0xFFFFF800  }
0x34: {  	[spmem:s3] =	stream.indirect.scatter.add.f32 [tilespmem:s15], [sflag:$0x3], $0x10, s24, s14, $0xb8;
	[tilespmem:$0x8780] =	vst v63  }
0x35: {  	_ =	swait.ge [sflag:s12], $0x800  }
0x36: {  	[sflag:s12] =	ssyncset.done $0x0  }
0x37: {  	s24 =	sadd.s32 $0x100, s23;
	[sflag:s12] =	ssyncadd.s32 $0xFFFFF800  }
0x38: {  	[tilespmem:s15], [sflag:$0x1] =	stream.indirect.gather [hbm4b:s2+s14], $0x10, s24, s14, $0xb8;
	[tilespmem:$0x8780] =	vst v63  }
0x39: {  	_ =	swait.ge [sflag:s18], $0x800  }
0x3a: {  	[sflag:s18] =	ssyncset.done $0x0  }
.Ltmp0:
0x3b: {  	s24 =	sadd.s32 $0x2880, s23;
	[sflag:s18] =	ssyncadd.s32 $0xFFFFF800;
	(pc) =	sbr.rel @p0 .LBB2_2-.Ltmp0, $4  }
0x3c: {  	[spmem:s3] =	stream.indirect.scatter.add.f32 [tilespmem:s16], [sflag:$0x3], $0x10, s24, s14, $0xb8;
	[tilespmem:$0x8780] =	vst v63  }
0x3d: {  	_ =	swait.ge [sflag:s12], $0x800  }
0x3e: {  	[sflag:s12] =	ssyncset.done $0x0  }
0x3f: {  	s23 =	sadd.s32 $0x180, s23;
	[sflag:s12] =	ssyncadd.s32 $0xFFFFF800  }
0x40: {  	[tilespmem:s16], [sflag:$0x2] =	stream.indirect.gather [hbm4b:s2+s14], $0x10, s23, s14, $0xb8;
	[tilespmem:$0x8780] =	vst v63  }
0x41: {  	_ =	swait.ge [sflag:s17], $0x800  }
0x42: {  	[sflag:s17] =	ssyncset.done $0x0  }
0x43: {  	[sflag:s17] =	ssyncadd.s32 $0xFFFFF800  }
0x44: {  	[spmem:s3] =	stream.indirect.scatter.add.f32 [tilespmem:s15], [sflag:$0x3], $0x10, s19, s14, $0xb8;
	[tilespmem:$0x8780] =	vst v63  }
0x45: {  	_ =	swait.ge [sflag:s12], $0x800  }
0x46: {  	[sflag:s12] =	ssyncset.done $0x0  }
0x47: {  	[sflag:s12] =	ssyncadd.s32 $0xFFFFF800  }
0x48: {  	_ =	swait.ge [sflag:s18], $0x800  }
0x49: {  	[sflag:s18] =	ssyncset.done $0x0  }
0x4a: {  	[sflag:s18] =	ssyncadd.s32 $0xFFFFF800  }
0x4b: {  	[spmem:s3] =	stream.indirect.scatter.add.f32 [tilespmem:s16], [sflag:$0x3], $0x10, s20, s14, $0xb8;
	[tilespmem:$0x8780] =	vst v63  }
0x4c: {  	_ =	swait.ge [sflag:s12], $0x800  }
0x4d: {  	s21 =	sadd.s32 $0x1, s21;
	[sflag:s12] =	ssyncset.done $0x0  }
0x4e: {  	p0 =	sne.s32 s21, s10;
	[sflag:s12] =	ssyncadd.s32 $0xFFFFF800  }
.Ltmp1:
0x4f: {  	[bflag:$0x0] =	sbarrier.arrive $0xFFFF;
	(pc) =	sbr.rel @p0 .LBB2_1-.Ltmp1, $4  }
0x50: {  	[hbm:s9], [sflag:s6] =	dma.local [spmem:s11], $0x4F0  }
0x51: {  	_ =	swait.ge [sflag:s12], $0x4F0  }
0x52: {  	[sflag:s12] =	ssyncset.done $0x0  }
0x53: {  	[sflag:s12] =	ssyncadd.s32 $0xFFFFFB10  }
0x54: {  	_ =	sfence.sel $0x180000  }
0x55: {  	[bflag:$0x0] =	sbarrier.arrive $0xFFFF  }
0x56: {  	p0 =	sne.s32 s0, $0x0;
	_ =	strace $0x9000004D  }
0x57: {  	s0 =	sadd.s32 @!p0 $0x100000, s1;
	[bflag:$0x2] =	sbarrier.arrive $0xFFFF  }
0x58: {  	[sflag:s0] =	ssyncadd.tile.s32 @!p0 $0x1;
	_ =	shalt  }
.Lfunc_end2:
_tile_overlayer_lowered:
.L_overlay_start_2:
0x59: {  	(tag) =	ssettag $0x2  }
0x5a: {  	s0 =	rddreg [dreg:$0x0];
	s2 =	stileid.u32  }
0x5b: {  	s1 =	rddreg [dreg:$0x1];
	p0 =	sne.s32 s2, $0x0  }
0x5c: {  	s3 =	rddreg [dreg:$0x2];
	[bflag:$0x3] =	sbarrier.arrive $0xFFFF;
	s2 =	simm.s32 @!p0 $0x1C03  }
0x5d: {  	[timem:s3], [sflag:s2] =	dma.local @!p0 [hbm:s0], s1  }
0x5e: {  	s0 =	simm.s32 @!p0 $0x3  }
0x5f: {  	_ =	swait.ge @!p0 [sflag:s0], s1  }
0x60: {  	s1 =	ssub.s32 @!p0 $0x0, s1;
	[sflag:s0] =	ssyncset.done @!p0 $0x0  }
0x61: {  	[sflag:s0] =	ssyncadd.s32 @!p0 s1  }
0x62: {  	[bflag:$0x3] =	sbarrier.arrive $0xFFFF  }
0x63: {  	_ =	shalt  }

// kernel: kernel.8.cloned.1.call-start
scs
__scs_entry_jumppad:
0x0: {  	(pc) =	sbr.rel $0x88, $3  }
0x1: {  	(tag) =	ssettag $0x0;
	lr =	simm.s32 $0x1  }
0x2: {  	[smem:$0x3F9B] =	sst lr;
	_ =	strace $0xD0000000  }
0x3: {  	_ = 	snop  }
0x4: {  	_ = 	snop  }
0x5: {  	_ = 	snop  }
0x6: {  	_ = 	snop  }
0x7: {  	_ = 	snop  }
__scs_overlays_trampoline_lowered:
0x8: {  	[smem:$0x3FAA] =	sst s0  }
0x9: {  	[smem:$0x3FAB] =	sst s1  }
0xa: {  	[smem:$0x3FAC] =	sst s2  }
0xb: {  	[smem:$0x3FAD] =	sst s3  }
0xc: {  	[smem:$0x3FAE] =	sst s4  }
0xd: {  	[smem:$0x3FAF] =	sst s5  }
0xe: {  	[smem:$0x3FB0] =	sst s6  }
0xf: {  	[smem:$0x3FB1] =	sst s7  }
0x10: {  	[smem:$0x3FB2] =	sst s8  }
0x11: {  	[smem:$0x3FB3] =	sst s9;
	s0 =	simm.s32 @!p0 $0x0  }
0x12: {  	s1 =	sld [smem:$0x3F99];
	s0 =	simm.s32 @p0 $0x1  }
0x13: {  	[smem:$0x3FB4] =	sst s0;
	s0 =	simm.s32 @!p1 $0x0  }
0x14: {  	s2 =	sld [smem:$0x3F98];
	s0 =	simm.s32 @p1 $0x1  }
0x15: {  	[smem:$0x3FB5] =	sst s0;
	s0 =	simm.s32 @!p2 $0x0  }
0x16: {  	s3 =	sld [smem:$0x3FDB];
	s0 =	simm.s32 @p2 $0x1  }
0x17: {  	s4 =	simm.s32 $0x1BF5;
	[smem:$0x3FB7] =	sst s0  }
0x18: {  	s0 =	sld [smem:$0x3F9A];
	_ =	swait.ge [sflag:s4], $0x0  }
0x19: {  	s7 =	sld [smem:$0x3F9B]  }
0x1a: {  	s8 =	sadd.s32 $0xFFFFE003, lr  }
0x1b: {  	s9 =	sadd.s32 $0xFFFFFEF7, lr;
	s5 =	simm.s32 $0xFFFFFFFF;
	p2 =	slt.u32 s8, $0xFFFFF086  }
0x1c: {  	p1 =	slt.u32 s9, $0xF7A;
	s5 =	simm.s32 @!p2 $0x0  }
0x1d: {  	s5 =	simm.s32 @p1 $0x1;
	p0 =	seq.s32 s7, s2  }
0x1e: {  	s7 =	smul.u32 @!p0 $0xF7A, s2;
	p2 =	seq.s32 @!p0 s5, $0x0  }
0x1f: {  	s9 =	smul.u32 $0xF7A, s1;
	s8 =	simm.s32 @!p0 $0x1BF5;
	p2 =	por !p2, p0  }
0x20: {  	[sflag:s8] =	ssyncset.s32 @!p0 $0xFFFFF086;
	s6 =	sadd.s32 @!p0 s3, s7;
	s7 =	simm.s32 @!p0 $0x108  }
0x21: {  	s3 =	sadd.s32 s3, s9;
	s6 =	sadd.s32 @!p0 $0x88, s6;
	s7 =	simm.s32 @p2 $0x1082  }
0x22: {  	[simem:s7], [sflag:s8] =	dma.local @!p0 [hbm:s6], $0xF7A  }
0x23: {  	s9 =	sor.u32 $0xD0000000, s2;
	s6 =	simm.s32 $0x108;
	_ =	swait.ge @!p0 [sflag:s8], $0x0  }
0x24: {  	s3 =	sadd.s32 $0x88, s3;
	s6 =	simm.s32 @!p1 $0x1082;
	[sflag:s4] =	ssyncset.s32 $0xFFFFF086  }
0x25: {  	[simem:s6], [sflag:s4] =	dma.local [hbm:s3], $0xF7A  }
0x26: {  	[smem:$0x3F9B] =	sst s1;
	(tag) =	ssettag s2;
	_ =	strace s9  }
0x27: {  	s1 =	sld [smem:$0x3FAB]  }
0x28: {  	s2 =	sld [smem:$0x3FAC]  }
0x29: {  	s4 =	sld [smem:$0x3FAE]  }
0x2a: {  	p0 =	seq.s32 s5, $0x0;
	s5 =	sld [smem:$0x3FAF]  }
0x2b: {  	s6 =	sld [smem:$0x3FB0]  }
0x2c: {  	s7 =	sld [smem:$0x3FB1]  }
0x2d: {  	s3 =	simm.s32 $0x108;
	s8 =	sld [smem:$0x3FB2]  }
0x2e: {  	s3 =	simm.s32 @!p0 $0x1082;
	s9 =	sld [smem:$0x3FB3]  }
0x2f: {  	lr =	sadd.s32 s0, s3;
	s0 =	sld [smem:$0x3FAA]  }
0x30: {  	s3 =	sld [smem:$0x3FAD]  }
0x31: {  	[smem:$0x3FB6] =	sst s10  }
0x32: {  	s10 =	sld [smem:$0x3FB4];
	_ =	sdelay $0x3  }
0x33: {  	p0 =	seq.s32 s10, $0x1;
	s10 =	sld [smem:$0x3FB6];
	_ =	sdelay $0x3  }
0x34: {  	[smem:$0x3FB6] =	sst s10  }
0x35: {  	s10 =	sld [smem:$0x3FB5];
	_ =	sdelay $0x3  }
0x36: {  	p1 =	seq.s32 s10, $0x1;
	s10 =	sld [smem:$0x3FB6];
	_ =	sdelay $0x3  }
0x37: {  	[smem:$0x3FB6] =	sst s10  }
0x38: {  	s10 =	sld [smem:$0x3FB7]  }
0x39: {  	_ = 	snop;
	(pc) =	sbr.ind lr, $3  }
0x3a: {  	_ = 	snop  }
0x3b: {  	_ = 	snop  }
0x3c: {  	p2 =	seq.s32 s10, $0x1;
	s10 =	sld [smem:$0x3FB6]  }
0x3d: {  	_ =	shalt  }
0x3e: {  	_ =	shalt  }
0x3f: {  	_ =	shalt  }
0x40: {  	_ =	shalt  }
0x41: {  	_ =	shalt  }
0x42: {  	_ =	shalt  }
0x43: {  	_ =	shalt  }
0x44: {  	_ =	shalt  }
0x45: {  	_ =	shalt  }
0x46: {  	_ =	shalt  }
0x47: {  	_ =	shalt  }
0x48: {  	_ =	shalt  }
0x49: {  	_ =	shalt  }
0x4a: {  	_ =	shalt  }
0x4b: {  	_ =	shalt  }
0x4c: {  	_ =	shalt  }
0x4d: {  	_ =	shalt  }
0x4e: {  	_ =	shalt  }
0x4f: {  	_ =	shalt  }
0x50: {  	_ =	shalt  }
0x51: {  	_ =	shalt  }
0x52: {  	_ =	shalt  }
0x53: {  	_ =	shalt  }
0x54: {  	_ =	shalt  }
0x55: {  	_ =	shalt  }
0x56: {  	_ =	shalt  }
0x57: {  	_ =	shalt  }
0x58: {  	_ =	shalt  }
0x59: {  	_ =	shalt  }
0x5a: {  	_ =	shalt  }
0x5b: {  	_ =	shalt  }
0x5c: {  	_ =	shalt  }
0x5d: {  	_ =	shalt  }
0x5e: {  	_ =	shalt  }
0x5f: {  	_ =	shalt  }
0x60: {  	_ =	shalt  }
0x61: {  	_ =	shalt  }
0x62: {  	_ =	shalt  }
0x63: {  	_ =	shalt  }
0x64: {  	_ =	shalt  }
0x65: {  	_ =	shalt  }
0x66: {  	_ =	shalt  }
0x67: {  	_ =	shalt  }
0x68: {  	_ =	shalt  }
0x69: {  	_ =	shalt  }
0x6a: {  	_ =	shalt  }
0x6b: {  	_ =	shalt  }
0x6c: {  	_ =	shalt  }
0x6d: {  	_ =	shalt  }
0x6e: {  	_ =	shalt  }
0x6f: {  	_ =	shalt  }
0x70: {  	_ =	shalt  }
0x71: {  	_ =	shalt  }
0x72: {  	_ =	shalt  }
0x73: {  	_ =	shalt  }
0x74: {  	_ =	shalt  }
0x75: {  	_ =	shalt  }
0x76: {  	_ =	shalt  }
0x77: {  	_ =	shalt  }
0x78: {  	_ =	shalt  }
0x79: {  	_ =	shalt  }
0x7a: {  	_ =	shalt  }
0x7b: {  	_ =	shalt  }
0x7c: {  	_ =	shalt  }
0x7d: {  	_ =	shalt  }
0x7e: {  	_ =	shalt  }
0x7f: {  	_ =	shalt  }
0x80: {  	_ =	shalt  }
0x81: {  	_ =	shalt  }
0x82: {  	_ =	shalt  }
0x83: {  	_ =	shalt  }
0x84: {  	_ =	shalt  }
0x85: {  	_ =	shalt  }
0x86: {  	_ =	shalt  }
0x87: {  	_ =	shalt  }
.Lfunc_end0:
.L_simem_size_0:
called_computation_lowered:
.L_overlay_start_0:
0x88: {  	s2 =	sld [smem:$0x3FD9]  }
0x89: {  	s3 =	sld [smem:$0x3FFE];
	_ =	sdelay $0x1  }
0x8a: {  	s1 =	srdreg.scid  }
0x8b: {  	s0 =	sand.u32 $0x1, s1  }
0x8c: {  	s17 =	sshll.u32 s0, $0xA;
	s2 =	sadd.s32 s3, s2  }
0x8d: {  	s2 =	sadd.s32 s2, s17  }
0x8e: {  	[smem:$0x3FC2] =	sst s2  }
0x8f: {  	_ = 	snop  }
0x90: {  	s2 =	sld [smem:$0x3FD0];
	(tm) =	ssettm $0x1  }
0x91: {  	s18 =	sld [smem:$0x3FFB];
	_ =	sdelay $0x3  }
0x92: {  	_ =	strace s18  }
0x93: {  	s3 =	sld [smem:$0x3FFC];
	_ =	sdelay $0x3  }
0x94: {  	_ =	strace s3  }
0x95: {  	s3 =	sld [smem:$0x3FFD];
	_ =	sdelay $0x3  }
0x96: {  	_ =	strace s3  }
0x97: {  	_ =	strace $0x8FFFFFFF  }
0x98: {  	s19 =	sld [smem:$0x3FDB];
	_ =	sdelay $0x1  }
0x99: {  	s4 =	simm.s32 $_scs_section_size  }
0x9a: {  	s5 =	simm.s32 $_size__tile_overlayer_lowered;
	s6 =	simm.s32 $_tile_overlayer_lowered  }
0x9b: {  	s22 =	simm.s32 $0x1BFF;
	s21 =	sshll.u32 s6, $0x1;
	s3 =	sadd.s32 s4, s19  }
0x9c: {  	s7 =	simm.s32 $0x0;
	s20 =	sshll.u32 s5, $0x1;
	s5 =	sadd.s32 s21, s3  }
0x9d: {  	[timem:s7], [sflag:s22] =	dma.local [hbm:s5], s20  }
0x9e: {  	_ =	swait.ge [sflag:s22], s20  }
0x9f: {  	s4 =	ssub.s32 $0x0, s20;
	[sflag:s22] =	ssyncset.done $0x0  }
0xa0: {  	[sflag:s22] =	ssyncadd.s32 s4;
	_ =	sdelay $0x1  }
0xa1: {  	s23 =	simm.s32 $0x1B8B  }
0xa2: {  	_ =	swait.ge [sflag:s23], $0x1  }
0xa3: {  	[sflag:s23] =	ssyncset.done $0x0  }
0xa4: {  	s25 =	simm.s32 $0x1B8E;
	s24 =	sld [smem:$0x3FFE];
	[sflag:s23] =	ssyncadd.s32 $0xFFFFFFFF  }
0xa5: {  	s26 =	simm.s32 $execute0_lowered;
	[smem:$0x3FD2] =	sst s25  }
0xa6: {  	s5 =	sshll.u32 s26, $0x1;
	_ =	strace $0x80000046;
	[dreg:$0x1] =	wrdreg $0xFFFFFFFF  }
0xa7: {  	s28 =	simm.s32 $_size_execute0_lowered;
	s3 =	sadd.s32 s3, s5;
	[dreg:$0x0] =	wrdreg $0x0  }
0xa8: {  	s5 =	sshll.u32 s28, $0x1;
	[dreg:$0x2] =	wrdreg s3  }
0xa9: {  	[dreg:$0x3] =	wrdreg s5  }
0xaa: {  	[dreg:$0x4] =	wrdreg $0xC0  }
0xab: {  	_ =	task [dreg:s7], $0x5FFFF  }
0xac: {  	[dreg:$0x1] =	wrdreg $0xFFFFFFFF  }
0xad: {  	[dreg:$0x0] =	wrdreg $0x60  }
0xae: {  	[dreg:$0x2] =	wrdreg s24  }
0xaf: {  	[dreg:$0x3] =	wrdreg s2  }
0xb0: {  	[dreg:$0x4] =	wrdreg $0x54000  }
0xb1: {  	[dreg:$0x5] =	wrdreg $0x67C00  }
0xb2: {  	[dreg:$0x6] =	wrdreg $0x9  }
0xb3: {  	_ =	task.clear_ibuf [dreg:s7], $0x7FFFF;
	_ =	strace $0x90000046  }
0xb4: {  	s29 =	simm.s32 $0x9;
	_ =	strace $0x80000048  }
0xb5: {  	_ =	swait.ge [sflag:s29], $0x1  }
0xb6: {  	[sflag:s29] =	ssyncadd.s32 $0xFFFFFFFF  }
0xb7: {  	_ =	strace $0x90000048  }
0xb8: {  	_ =	sfence  }
0xb9: {  	s30 =	sld [smem:$0x0];
	_ =	sdelay $0x2  }
0xba: {  	s31 =	sshll.u32 s1, $0xD;
	s1 =	sshrl.u32 s1, $0x2  }
0xbb: {  	s3 =	sand.u32 $0x4000, s31;
	s1 =	sadd.s32 s1, s30  }
0xbc: {  	s0 =	sor.u32 s3, s0;
	s1 =	sshll.u32 s1, $0x11  }
0xbd: {  	s0 =	sor.u32 s1, s0  }
0xbe: {  	s0 =	sadd.s32 $0x8F2B, s0  }
0xbf: {  	[sflag:s0] =	ssyncadd.remote.s32 $0x1  }
0xc0: {  	_ =	sfence.sel $0xFFFF  }
0xc1: {  	[dreg:$0x0] =	wrdreg $0xFFFFFFFF;
	(pc) =	sbr.abs _section_cstart, $3  }
0xc2: {  	[dreg:$0x1] =	wrdreg $0xFFFFFFFF  }
0xc3: {  	_ =	task.clear_ibuf [dreg:s7], $0x2FFFF;
	_ =	strace $0x9FFFFFFF  }
0xc4: {  	(tm) =	ssettm $0x7FFFFFFF  }
0xc5: {  	_ =	shalt  }
tec
execute0_lowered:
.L_overlay_start_1:
0x0: {  	(tag) =	ssettag $0x1  }
0x1: {  	s7 =	rddreg [dreg:$0x0]  }
0x2: {  	s1 =	rddreg [dreg:$0x1]  }
0x3: {  	s0 =	srdreg.scid;
	s3 =	rddreg [dreg:$0x2]  }
0x4: {  	s4 =	rddreg [dreg:$0x3];
	s5 =	simm.s32 $0x0;
	s16 =	simm.s32 $0x5000  }
0x5: {  	s17 =	simm.s32 $0x2800;
	s6 =	sand.u32 $0x1, s0;
	s0 =	stileid.u32  }
0x6: {  	s18 =	simm.s32 $0x80;
	s19 =	simm.s32 $0x0;
	s9 =	smul.u32 $0x13C0, s0  }
0x7: {  	[smem:$0x7FF] =	sst s5;
	s2 =	sshll.u32 s6, $0x4;
	s10 =	smul.u32 $0x27800, s6  }
0x8: {  	s30 =	ssub.s32 $0x2, s6;
	s6 =	sadd.s32 $0x15C00, s7;
	s2 =	sor.u32 s0, s2  }
0x9: {  	s31 =	sshll.u32 s0, $0x6;
	s12 =	sshrl.u32 s30, $0x1;
	s8 =	smul.u32 $0x500, s2  }
0xa: {  	s2 =	rddreg [dreg:$0x4];
	_ =	strace $0x80000047;
	s29 =	sadd.s32 s9, s10  }
0xb: {  	s12 =	ssub.s32 s30, s12;
	s14 =	sadd.s32 s9, s3;
	s15 =	sadd.s32 s9, s4  }
0xc: {  	s12 =	smax.u32 s12, $0x1;
	s11 =	sadd.s32 s8, s7;
	s8 =	sshrl.u32 s29, $0x3  }
0xd: {  	s15 =	sshrl.u32 s15, $0x3;
	s13 =	sadd.s32 s8, s7;
	s7 =	sor.u32 $0x1C01, s31  }
0xe: {  	s8 =	sadd.s32 $0xBC00, s11;
	s9 =	sadd.s32 $0x1C00, s11;
	s10 =	sadd.s32 $0x15E00, s13  }
0xf: {  	s11 =	sadd.s32 $0x18580, s13;
	s13 =	sshrl.u32 s14, $0x3;
	s14 =	simm.s32 $0x1  }
.LBB2_1:
0x10: {  	[spmem:s13], [sflag:s7] =	dma.local [hbm:s1], $0x278  }
0x11: {  	_ =	swait.ge [sflag:s14], $0x278  }
0x12: {  	[sflag:s14] =	ssyncset.done $0x0  }
0x13: {  	[sflag:s14] =	ssyncadd.s32 $0xFFFFFD88  }
0x14: {  	[spmem:s15], [sflag:s7] =	dma.local [hbm:s1], $0x278  }
0x15: {  	_ =	swait.ge [sflag:s14], $0x278  }
0x16: {  	[sflag:s14] =	ssyncset.done $0x0  }
0x17: {  	[sflag:s14] =	ssyncadd.s32 $0xFFFFFD88  }
0x18: {  	[tilespmem:s16], [sflag:$0x1] =	stream.linear.gather [hbm4b:s6+s5], $0x400, $0x38;
	[tilespmem:$0x7B80] =	vst v63  }
0x19: {  	_ =	swait.ge [sflag:s14], $0x400  }
0x1a: {  	[sflag:s14] =	ssyncset.done $0x0  }
0x1b: {  	[sflag:s14] =	ssyncadd.s32 $0xFFFFFC00  }
0x1c: {  	[tilespmem:s5], [sflag:$0x1] =	stream.linear.gather [hbm4b:s8+s5], $0x2800, $0x38;
	[tilespmem:$0x7B80] =	vst v63  }
0x1d: {  	_ =	swait.ge [sflag:s14], $0x2800  }
0x1e: {  	[sflag:s14] =	ssyncset.done $0x0  }
0x1f: {  	[sflag:s14] =	ssyncadd.s32 $0xFFFFD800  }
0x20: {  	[tilespmem:s17], [sflag:$0x1] =	stream.linear.gather [hbm4b:s9+s5], $0x2800, $0x38;
	[tilespmem:$0x7B80] =	vst v63  }
0x21: {  	_ =	swait.ge [sflag:s14], $0x2800  }
0x22: {  	[sflag:s14] =	ssyncset.done $0x0  }
0x23: {  	[sflag:s14] =	ssyncadd.s32 $0xFFFFD800  }
0x24: {  	s20 =	simm.s32 $0x0;
	[bflag:$0x0] =	sbarrier.arrive $0xFFFF  }
0x25: {  	[spmem:s3] =	stream.indirect.scatter.add.f32 [tilespmem:s16], [sflag:$0x1], $0x8, s20, s18, $0xb8;
	[tilespmem:$0x7B80] =	vst v63  }
0x26: {  	_ =	swait.ge [sflag:s14], $0x400  }
0x27: {  	[sflag:s14] =	ssyncset.done $0x0  }
0x28: {  	s31 =	simm.s32 $0x2800;
	[sflag:s14] =	ssyncadd.s32 $0xFFFFFC00  }
0x29: {  	[spmem:s4] =	stream.indirect.scatter.add.f32 [tilespmem:s16], [sflag:$0x1], $0x8, s31, s18, $0xb8;
	[tilespmem:$0x7B80] =	vst v63  }
0x2a: {  	_ =	swait.ge [sflag:s14], $0x400  }
0x2b: {  	s21 =	simm.s32 $0x400;
	s20 =	simm.s32 $0x200;
	[sflag:s14] =	ssyncset.done $0x0  }
.LBB2_2:
0x2c: {  	s22 =	sshra.s32 s20, $0x2  }
0x2d: {  	[sflag:s14] =	ssyncadd.s32 $0xFFFFFC00;
	s20 =	smov.u32 s21;
	s23 =	sadd.s32 $0x200, s21  }
0x2e: {  	[spmem:s3] =	stream.indirect.scatter.add.f32 [tilespmem:s16], [sflag:$0x1], $0x8, s22, s18, $0xb8;
	[tilespmem:$0x7B80] =	vst v63  }
0x2f: {  	p0 =	sne.s32 s21, $0x9E00;
	_ =	swait.ge [sflag:s14], $0x400  }
.Ltmp0:
0x30: {  	[sflag:s14] =	ssyncset.done $0x0;
	(pc) =	sbr.rel @p0 .LBB2_2-.Ltmp0, $4  }
0x31: {  	s21 =	sadd.s32 $0x2800, s22;
	[sflag:s14] =	ssyncadd.s32 $0xFFFFFC00  }
0x32: {  	[spmem:s4] =	stream.indirect.scatter.add.f32 [tilespmem:s16], [sflag:$0x1], $0x8, s21, s18, $0xb8;
	[tilespmem:$0x7B80] =	vst v63  }
0x33: {  	_ =	swait.ge [sflag:s14], $0x400  }
0x34: {  	s21 =	smov.u32 s23;
	[sflag:s14] =	ssyncset.done $0x0  }
0x35: {  	s20 =	sshra.s32 s20, $0x2;
	[sflag:s14] =	ssyncadd.s32 $0xFFFFFC00  }
0x36: {  	[spmem:s3] =	stream.indirect.scatter.add.f32 [tilespmem:s16], [sflag:$0x1], $0x8, s20, s18, $0xb8;
	[tilespmem:$0x7B80] =	vst v63  }
0x37: {  	_ =	swait.ge [sflag:s14], $0x400  }
0x38: {  	[sflag:s14] =	ssyncset.done $0x0  }
0x39: {  	s20 =	sadd.s32 $0x2800, s20;
	[sflag:s14] =	ssyncadd.s32 $0xFFFFFC00  }
0x3a: {  	[spmem:s4] =	stream.indirect.scatter.add.f32 [tilespmem:s16], [sflag:$0x1], $0x8, s20, s18, $0xb8;
	[tilespmem:$0x7B80] =	vst v63  }
0x3b: {  	_ =	swait.ge [sflag:s14], $0x400  }
0x3c: {  	[sflag:s14] =	ssyncset.done $0x0  }
0x3d: {  	[sflag:s14] =	ssyncadd.s32 $0xFFFFFC00  }
0x3e: {  	[bflag:$0x0] =	sbarrier.arrive $0xFFFF  }
0x3f: {  	[hbm:s10], [sflag:s7] =	dma.local [spmem:s13], $0x278  }
0x40: {  	s19 =	sadd.s32 $0x1, s19;
	_ =	swait.ge [sflag:s14], $0x278  }
0x41: {  	p0 =	sne.s32 s19, s12;
	[sflag:s14] =	ssyncset.done $0x0  }
.Ltmp1:
0x42: {  	[sflag:s14] =	ssyncadd.s32 $0xFFFFFD88;
	(pc) =	sbr.rel @p0 .LBB2_1-.Ltmp1, $4  }
0x43: {  	[hbm:s11], [sflag:s7] =	dma.local [spmem:s15], $0x278  }
0x44: {  	_ =	swait.ge [sflag:s14], $0x278  }
0x45: {  	[sflag:s14] =	ssyncset.done $0x0  }
0x46: {  	[sflag:s14] =	ssyncadd.s32 $0xFFFFFD88  }
0x47: {  	_ =	sfence.sel $0x180000  }
0x48: {  	[bflag:$0x0] =	sbarrier.arrive $0xFFFF  }
0x49: {  	p0 =	sne.s32 s0, $0x0;
	_ =	strace $0x90000047  }
0x4a: {  	s0 =	sadd.s32 @!p0 $0x100000, s2;
	[bflag:$0x2] =	sbarrier.arrive $0xFFFF  }
0x4b: {  	[sflag:s0] =	ssyncadd.tile.s32 @!p0 $0x1;
	_ =	shalt  }
.Lfunc_end2:
_tile_overlayer_lowered:
.L_overlay_start_2:
0x4c: {  	(tag) =	ssettag $0x2  }
0x4d: {  	s0 =	rddreg [dreg:$0x0];
	s2 =	stileid.u32  }
0x4e: {  	s1 =	rddreg [dreg:$0x1];
	p0 =	sne.s32 s2, $0x0  }
0x4f: {  	s3 =	rddreg [dreg:$0x2];
	[bflag:$0x3] =	sbarrier.arrive $0xFFFF;
	s2 =	simm.s32 @!p0 $0x1C01  }
0x50: {  	[timem:s3], [sflag:s2] =	dma.local @!p0 [hbm:s0], s1  }
0x51: {  	s0 =	simm.s32 @!p0 $0x1  }
0x52: {  	_ =	swait.ge @!p0 [sflag:s0], s1  }
0x53: {  	s1 =	ssub.s32 @!p0 $0x0, s1;
	[sflag:s0] =	ssyncset.done @!p0 $0x0  }
0x54: {  	[sflag:s0] =	ssyncadd.s32 @!p0 s1  }
0x55: {  	[bflag:$0x3] =	sbarrier.arrive $0xFFFF  }
0x56: {  	_ =	shalt  }

</sc_bundles>
